<compile_context>
chip_gen: v7x
topology: tpu7x:2x2x1
jax: 0.10.2.dev20260603
libtpu: 0.0.44.dev20260713+nightly
codegen_flags: <defaults>
</compile_context>

<pallas_src>
import functools

import jax
import jax.numpy as jnp
from jax import lax
from jax.experimental import pallas as pl
from jax.experimental.pallas import tpu as pltpu
from jax.experimental.pallas import tpu_sc as plsc

N = 10000
E = 320000
D = 128

NC = 2
NS = 16
NW = NC * NS
B = 128
NB = 79
EPT = NB * B
EPAD = NW * EPT
NPADROWS = 240
N1 = N + NPADROWS
SLICE = N1 // NS
BLK = 1024

_mesh = plsc.VectorSubcoreMesh(core_axis_name="c", subcore_axis_name="s")


def _sc_degrees(src_pad, dst_pad):

  @functools.partial(
      pl.kernel,
      out_type=jax.ShapeDtypeStruct((NC * 2 * N1,), jnp.float32),
      mesh=_mesh,
      scratch_types=[
          pltpu.VMEM((B,), jnp.int32),
          pltpu.VMEM((B,), jnp.int32),
          pltpu.VMEM((B,), jnp.float32),
          pltpu.VMEM((SLICE,), jnp.float32),
          pltpu.VMEM_SHARED((N1,), jnp.float32),
          pltpu.VMEM_SHARED((N1,), jnp.float32),
      ],
  )
  def k(src_hbm, dst_hbm, out_hbm, src_v, dst_v, ones_v, stage_v, dsrc_sh,
        ddst_sh):
    cid = lax.axis_index("c")
    sid = lax.axis_index("s")
    wid = cid * NS + sid
    one16 = jnp.ones((16,), jnp.float32)
    zero16 = jnp.zeros((16,), jnp.float32)
    for jj in range(B // 16):
      ones_v[pl.ds(jj * 16, 16)] = one16

    def fill_zero(r, carry):
      stage_v[pl.ds(r * 16, 16)] = zero16
      return carry

    lax.fori_loop(0, SLICE // 16, fill_zero, 0)
    row0 = sid * SLICE
    pltpu.sync_copy(stage_v, dsrc_sh.at[pl.ds(row0, SLICE)])
    pltpu.sync_copy(stage_v, ddst_sh.at[pl.ds(row0, SLICE)])
    plsc.subcore_barrier()

    def body(b, carry):
      off = wid * EPT + b * B
      pltpu.sync_copy(src_hbm.at[pl.ds(off, B)], src_v)
      pltpu.sync_copy(dst_hbm.at[pl.ds(off, B)], dst_v)
      pltpu.sync_copy(ones_v, dsrc_sh.at[src_v], add=True)
      pltpu.sync_copy(ones_v, ddst_sh.at[dst_v], add=True)
      return carry

    lax.fori_loop(0, NB, body, 0)
    plsc.subcore_barrier()
    pltpu.sync_copy(dsrc_sh.at[pl.ds(row0, SLICE)],
                    out_hbm.at[pl.ds(cid * 2 * N1 + row0, SLICE)])
    pltpu.sync_copy(ddst_sh.at[pl.ds(row0, SLICE)],
                    out_hbm.at[pl.ds(cid * 2 * N1 + N1 + row0, SLICE)])

  return k(src_pad, dst_pad).reshape(NC, 2, N1)


def _sc_aggregate(h, src_pad, dst_pad, zrows):

  @functools.partial(
      pl.kernel,
      out_type=jax.ShapeDtypeStruct((NC * N1, D), jnp.float32),
      mesh=_mesh,
      scratch_types=[
          pltpu.VMEM((B,), jnp.int32),
          pltpu.VMEM((B,), jnp.int32),
          pltpu.VMEM((B, D), jnp.float32),
          pltpu.VMEM_SHARED((N1, D), jnp.float32),
          pltpu.SemaphoreType.DMA,
      ],
  )
  def k(h_hbm, src_hbm, dst_hbm, z_hbm, out_hbm, src_v, dst_v, rows_v, acc_sh,
        sem):
    cid = lax.axis_index("c")
    sid = lax.axis_index("s")
    wid = cid * NS + sid
    row0 = sid * SLICE
    pltpu.sync_copy(z_hbm, acc_sh.at[pl.ds(row0, SLICE)])
    plsc.subcore_barrier()

    def body(b, carry):
      off = wid * EPT + b * B
      pltpu.sync_copy(src_hbm.at[pl.ds(off, B)], src_v)
      pltpu.async_copy(h_hbm.at[src_v], rows_v, sem).wait()
      pltpu.sync_copy(dst_hbm.at[pl.ds(off, B)], dst_v)
      pltpu.sync_copy(rows_v, acc_sh.at[dst_v], add=True)
      return carry

    lax.fori_loop(0, NB, body, 0)
    plsc.subcore_barrier()
    pltpu.sync_copy(acc_sh.at[pl.ds(row0, SLICE)],
                    out_hbm.at[pl.ds(cid * N1 + row0, SLICE)])

  return k(h, src_pad, dst_pad, zrows).reshape(NC, N1, D)


def _tc_prep(deg, x):
  grid = N1 // BLK

  def body(deg_ref, x_ref, h0_ref, dout_ref, din_ref):
    dsrc = deg_ref[0, 0] + deg_ref[1, 0]
    ddst = deg_ref[0, 1] + deg_ref[1, 1]
    dout = lax.rsqrt(jnp.maximum(dsrc, 1.0))
    din = lax.rsqrt(jnp.maximum(ddst, 1.0))
    dout_ref[...] = dout
    din_ref[...] = din
    h0_ref[...] = x_ref[...] * dout[:, None]

  return pl.pallas_call(
      body,
      grid=(grid,),
      in_specs=[
          pl.BlockSpec((NC, 2, BLK), lambda i: (0, 0, i)),
          pl.BlockSpec((BLK, D), lambda i: (i, 0)),
      ],
      out_specs=[
          pl.BlockSpec((BLK, D), lambda i: (i, 0)),
          pl.BlockSpec((BLK,), lambda i: (i,)),
          pl.BlockSpec((BLK,), lambda i: (i,)),
      ],
      out_shape=[
          jax.ShapeDtypeStruct((N1, D), jnp.float32),
          jax.ShapeDtypeStruct((N1,), jnp.float32),
          jax.ShapeDtypeStruct((N1,), jnp.float32),
      ],
  )(deg, x)


def _tc_layer(p, din, dout, W, b2d, relu_scale):
  grid = N1 // BLK

  def body(p_ref, din_ref, dout_ref, w_ref, b_ref, out_ref):
    agg = (p_ref[0] + p_ref[1]) * din_ref[...][:, None]
    y = jnp.dot(agg, w_ref[...], preferred_element_type=jnp.float32)
    y = y + b_ref[...]
    if relu_scale:
      y = jnp.maximum(y, 0.0) * dout_ref[...][:, None]
    out_ref[...] = y

  return pl.pallas_call(
      body,
      grid=(grid,),
      in_specs=[
          pl.BlockSpec((NC, BLK, D), lambda i: (0, i, 0)),
          pl.BlockSpec((BLK,), lambda i: (i,)),
          pl.BlockSpec((BLK,), lambda i: (i,)),
          pl.BlockSpec((D, D), lambda i: (0, 0)),
          pl.BlockSpec((1, D), lambda i: (0, 0)),
      ],
      out_specs=pl.BlockSpec((BLK, D), lambda i: (i, 0)),
      out_shape=jax.ShapeDtypeStruct((N1, D), jnp.float32),
  )(p, din, dout, W, b2d)


@jax.jit
def kernel(in_feat, edge_index, W1, b1, W2, b2):
  src = edge_index[0]
  dst = edge_index[1]
  npad = EPAD - E
  pad_ids = jnp.arange(npad, dtype=jnp.int32)
  pad_rows = N + pad_ids % NPADROWS
  src_agg = jnp.concatenate([src, pad_ids % N])
  src_deg = jnp.concatenate([src, pad_rows])
  dst_pad = jnp.concatenate([dst, pad_rows])
  x_pad = jnp.concatenate([in_feat, jnp.zeros((N1 - N, D), jnp.float32)])
  zrows = jnp.zeros((SLICE, D), jnp.float32)

  deg = _sc_degrees(src_deg, dst_pad)
  h0, dout, din = _tc_prep(deg, x_pad)
  p1 = _sc_aggregate(h0[:N], src_agg, dst_pad, zrows)
  h1s = _tc_layer(p1, din, dout, W1, b1.reshape(1, D), True)
  p2 = _sc_aggregate(h1s[:N], src_agg, dst_pad, zrows)
  out = _tc_layer(p2, din, dout, W2, b2.reshape(1, D), False)
  return out[:N]

# --- scband reference (transcript-rebuilt; emitter-appended) ---
"""Pipeline reference for scband-gcn-30451318129154 (READ-ONLY COPY).

The authoritative reference and input builder live on the scoring server;
editing this copy changes nothing except your own understanding.
"""

import jax, jax.numpy as jnp
import numpy as np

N = 10000
E = 320000
D = 128


def setup_inputs(seed: int = 0):
    key = jax.random.key(seed)
    ks = jax.random.split(key, 6)
    in_feat = jax.random.normal(ks[0], (N, D), dtype=jnp.float32)
    edge_index = jax.random.randint(ks[1], (2, E), 0, N, dtype=jnp.int32)
    W1 = jax.random.normal(ks[2], (D, D), dtype=jnp.float32) * (1.0 / np.sqrt(D))
    b1 = jnp.zeros((D,), dtype=jnp.float32)
    W2 = jax.random.normal(ks[3], (D, D), dtype=jnp.float32) * (1.0 / np.sqrt(D))
    b2 = jnp.zeros((D,), dtype=jnp.float32)
    return {"in_feat": in_feat, "edge_index": edge_index, "W1": W1, "b1": b1, "W2": W2, "b2": b2}


def _graph_conv(x, src, dst, W, b):
    # DGL GraphConv with norm='both', allow_zero_in_degree=True, bias=True
    deg_out = jnp.clip(jnp.zeros((N,), jnp.float32).at[src].add(1.0), 1.0)
    deg_in = jnp.clip(jnp.zeros((N,), jnp.float32).at[dst].add(1.0), 1.0)
    h = x * (deg_out ** -0.5)[:, None]
    msgs = h[src]  # gather over edges
    agg = jnp.zeros((N, x.shape[1]), x.dtype).at[dst].add(msgs)  # scatter-add
    agg = agg * (deg_in ** -0.5)[:, None]
    return agg @ W + b


def reference(in_feat, edge_index, W1, b1, W2, b2):
    src = edge_index[0]
    dst = edge_index[1]
    h = _graph_conv(in_feat, src, dst, W1, b1)
    h = jax.nn.relu(h)
    h = _graph_conv(h, src, dst, W2, b2)
    return h

if __name__ == "__main__":
    import jax
    _d = setup_inputs()
    print(jax.jit(kernel)(*tuple(_d.values())))

</pallas_src>

<mosaic_0001>
#map = affine_map<(d0, d1) -> (0)>
module attributes {stable_mosaic.version = 14 : i64} {
  func.func @k(%arg0: i32, %arg1: i32, %arg2: memref<323584xi32, #tpu.memory_space<hbm>>, %arg3: memref<323584xi32, #tpu.memory_space<hbm>>, %arg4: memref<40960xf32, #tpu.memory_space<hbm>>, %arg5: memref<128xi32, #tpu.memory_space<vmem>>, %arg6: memref<128xi32, #tpu.memory_space<vmem>>, %arg7: memref<128xf32, #tpu.memory_space<vmem>>, %arg8: memref<640xf32, #tpu.memory_space<vmem>>, %arg9: memref<10240xf32, #tpu.memory_space<vmem_shared>>, %arg10: memref<10240xf32, #tpu.memory_space<vmem_shared>>) attributes {dimension_semantics = [#tpu.dimension_semantics<core_parallel>, #tpu.dimension_semantics<subcore_parallel>], iteration_bounds = array<i64: 2, 16>, scalar_prefetch = 0 : i64, scratch_operands = 6 : i64, tpu.core_type = #tpu.core_type<sc_vector_subcore>, window_params = [{transform_indices = #map}, {transform_indices = #map}, {transform_indices = #map}]} {
    %mul3A = arith.constant 16 : i32
    %mul3A_0 = arith.muli %arg0, %mul3A : i32
    %add3A = arith.addi %mul3A_0, %arg1 : i32
    %broadcast_in_dim3A = arith.constant 1.000000e+00 : f32
    %broadcast_in_dim3A_1 = vector.broadcast %broadcast_in_dim3A : f32 to vector<16xf32>
    %broadcast_in_dim3A_2 = arith.constant 0.000000e+00 : f32
    %broadcast_in_dim3A_3 = vector.broadcast %broadcast_in_dim3A_2 : f32 to vector<16xf32>
    %swap3A = arith.constant 0 : index
    %swap3A_4 = tpu.vector_load %arg7[%swap3A] {strides = array<i32>} : memref<128xf32, #tpu.memory_space<vmem>>, vector<16xf32>,
    %swap3A_5 = vector.shape_cast %swap3A_4 : vector<16xf32> to vector<16xf32>
    %swap3A_6 = vector.shape_cast %broadcast_in_dim3A_1 : vector<16xf32> to vector<16xf32>
    tpu.vector_store %arg7[%swap3A], %swap3A_6 {strides = array<i32>} : memref<128xf32, #tpu.memory_space<vmem>>, vector<16xf32>,
    %swap3A_7 = arith.constant 16 : index
    %swap3A_8 = tpu.vector_load %arg7[%swap3A_7] {strides = array<i32>} : memref<128xf32, #tpu.memory_space<vmem>>, vector<16xf32>,
    %swap3A_9 = vector.shape_cast %swap3A_8 : vector<16xf32> to vector<16xf32>
    %swap3A_10 = vector.shape_cast %broadcast_in_dim3A_1 : vector<16xf32> to vector<16xf32>
    tpu.vector_store %arg7[%swap3A_7], %swap3A_10 {strides = array<i32>} : memref<128xf32, #tpu.memory_space<vmem>>, vector<16xf32>,
    %swap3A_11 = arith.constant 32 : index
    %swap3A_12 = tpu.vector_load %arg7[%swap3A_11] {strides = array<i32>} : memref<128xf32, #tpu.memory_space<vmem>>, vector<16xf32>,
    %swap3A_13 = vector.shape_cast %swap3A_12 : vector<16xf32> to vector<16xf32>
    %swap3A_14 = vector.shape_cast %broadcast_in_dim3A_1 : vector<16xf32> to vector<16xf32>
    tpu.vector_store %arg7[%swap3A_11], %swap3A_14 {strides = array<i32>} : memref<128xf32, #tpu.memory_space<vmem>>, vector<16xf32>,
    %swap3A_15 = arith.constant 48 : index
    %swap3A_16 = tpu.vector_load %arg7[%swap3A_15] {strides = array<i32>} : memref<128xf32, #tpu.memory_space<vmem>>, vector<16xf32>,
    %swap3A_17 = vector.shape_cast %swap3A_16 : vector<16xf32> to vector<16xf32>
    %swap3A_18 = vector.shape_cast %broadcast_in_dim3A_1 : vector<16xf32> to vector<16xf32>
    tpu.vector_store %arg7[%swap3A_15], %swap3A_18 {strides = array<i32>} : memref<128xf32, #tpu.memory_space<vmem>>, vector<16xf32>,
    %swap3A_19 = arith.constant 64 : index
    %swap3A_20 = tpu.vector_load %arg7[%swap3A_19] {strides = array<i32>} : memref<128xf32, #tpu.memory_space<vmem>>, vector<16xf32>,
    %swap3A_21 = vector.shape_cast %swap3A_20 : vector<16xf32> to vector<16xf32>
    %swap3A_22 = vector.shape_cast %broadcast_in_dim3A_1 : vector<16xf32> to vector<16xf32>
    tpu.vector_store %arg7[%swap3A_19], %swap3A_22 {strides = array<i32>} : memref<128xf32, #tpu.memory_space<vmem>>, vector<16xf32>,
    %swap3A_23 = arith.constant 80 : index
    %swap3A_24 = tpu.vector_load %arg7[%swap3A_23] {strides = array<i32>} : memref<128xf32, #tpu.memory_space<vmem>>, vector<16xf32>,
    %swap3A_25 = vector.shape_cast %swap3A_24 : vector<16xf32> to vector<16xf32>
    %swap3A_26 = vector.shape_cast %broadcast_in_dim3A_1 : vector<16xf32> to vector<16xf32>
    tpu.vector_store %arg7[%swap3A_23], %swap3A_26 {strides = array<i32>} : memref<128xf32, #tpu.memory_space<vmem>>, vector<16xf32>,
    %swap3A_27 = arith.constant 96 : index
    %swap3A_28 = tpu.vector_load %arg7[%swap3A_27] {strides = array<i32>} : memref<128xf32, #tpu.memory_space<vmem>>, vector<16xf32>,
    %swap3A_29 = vector.shape_cast %swap3A_28 : vector<16xf32> to vector<16xf32>
    %swap3A_30 = vector.shape_cast %broadcast_in_dim3A_1 : vector<16xf32> to vector<16xf32>
    tpu.vector_store %arg7[%swap3A_27], %swap3A_30 {strides = array<i32>} : memref<128xf32, #tpu.memory_space<vmem>>, vector<16xf32>,
    %swap3A_31 = arith.constant 112 : index
    %swap3A_32 = tpu.vector_load %arg7[%swap3A_31] {strides = array<i32>} : memref<128xf32, #tpu.memory_space<vmem>>, vector<16xf32>,
    %swap3A_33 = vector.shape_cast %swap3A_32 : vector<16xf32> to vector<16xf32>
    %swap3A_34 = vector.shape_cast %broadcast_in_dim3A_1 : vector<16xf32> to vector<16xf32>
    tpu.vector_store %arg7[%swap3A_31], %swap3A_34 {strides = array<i32>} : memref<128xf32, #tpu.memory_space<vmem>>, vector<16xf32>,
    %scan3A = arith.constant 0 : i32
    %scan3A_35 = arith.constant 0 : i32
    %scan3A_36 = arith.constant 40 : i32
    %scan3A_37 = arith.addi %scan3A_35, %scan3A_36 : i32
    %scan3A_38 = arith.constant 1 : i32
    scf.for %scan3A_61 = %scan3A_35 to %scan3A_37 step %scan3A_38  : i32 {
      %mul3A_62 = arith.constant 16 : i32
      %mul3A_63 = arith.muli %scan3A_61, %mul3A_62 : i32
      %swap3A_64 = arith.index_cast %mul3A_63 : i32 to index
      %swap3A_65 = tpu.vector_load %arg8[%swap3A_64] {strides = array<i32>} : memref<640xf32, #tpu.memory_space<vmem>>, vector<16xf32>,
      %swap3A_66 = vector.shape_cast %swap3A_65 : vector<16xf32> to vector<16xf32>
      %swap3A_67 = vector.shape_cast %broadcast_in_dim3A_3 : vector<16xf32> to vector<16xf32>
      tpu.vector_store %arg8[%swap3A_64], %swap3A_67 {strides = array<i32>} : memref<640xf32, #tpu.memory_space<vmem>>, vector<16xf32>,
    }
    %scan3A_39 = arith.constant 40 : i32
    %mul3A_40 = arith.constant 640 : i32
    %mul3A_41 = arith.muli %arg1, %mul3A_40 : i32
    "tpu.region"() ({
      %run_scoped3A = tpu.sem_alloc : memref<!tpu.dma_semaphore, #tpu.memory_space<semaphore_mem>>
      %dma_start3A = tpu.memref_slice %arg9[%mul3A_41] : memref<10240xf32, #tpu.memory_space<vmem_shared>> -> memref<640xf32, #tpu.memory_space<vmem_shared>>
      %dma_start3A_61 = tpu.memref_slice %arg9[%mul3A_41] : memref<10240xf32, #tpu.memory_space<vmem_shared>> -> memref<640xf32, #tpu.memory_space<vmem_shared>>
      tpu.enqueue_dma source(%arg8 : memref<640xf32, #tpu.memory_space<vmem>>) target(%dma_start3A_61 : memref<640xf32, #tpu.memory_space<vmem_shared>>) target_semaphore(%run_scoped3A : memref<!tpu.dma_semaphore, #tpu.memory_space<semaphore_mem>>)
      %dma_wait3A = tpu.memref_slice %arg9[%mul3A_41] : memref<10240xf32, #tpu.memory_space<vmem_shared>> -> memref<640xf32, #tpu.memory_space<vmem_shared>>
      %dma_wait3A_62 = tpu.memref_slice %arg9[%mul3A_41] : memref<10240xf32, #tpu.memory_space<vmem_shared>> -> memref<640xf32, #tpu.memory_space<vmem_shared>>
      tpu.wait_dma2 semaphore(%run_scoped3A : memref<!tpu.dma_semaphore, #tpu.memory_space<semaphore_mem>>) src(%arg8 : memref<640xf32, #tpu.memory_space<vmem>>) dst(%dma_wait3A_62 : memref<640xf32, #tpu.memory_space<vmem_shared>>)
      tpu.yield
    }) : () -> ()
    "tpu.region"() ({
      %run_scoped3A = tpu.sem_alloc : memref<!tpu.dma_semaphore, #tpu.memory_space<semaphore_mem>>
      %dma_start3A = tpu.memref_slice %arg10[%mul3A_41] : memref<10240xf32, #tpu.memory_space<vmem_shared>> -> memref<640xf32, #tpu.memory_space<vmem_shared>>
      %dma_start3A_61 = tpu.memref_slice %arg10[%mul3A_41] : memref<10240xf32, #tpu.memory_space<vmem_shared>> -> memref<640xf32, #tpu.memory_space<vmem_shared>>
      tpu.enqueue_dma source(%arg8 : memref<640xf32, #tpu.memory_space<vmem>>) target(%dma_start3A_61 : memref<640xf32, #tpu.memory_space<vmem_shared>>) target_semaphore(%run_scoped3A : memref<!tpu.dma_semaphore, #tpu.memory_space<semaphore_mem>>)
      %dma_wait3A = tpu.memref_slice %arg10[%mul3A_41] : memref<10240xf32, #tpu.memory_space<vmem_shared>> -> memref<640xf32, #tpu.memory_space<vmem_shared>>
      %dma_wait3A_62 = tpu.memref_slice %arg10[%mul3A_41] : memref<10240xf32, #tpu.memory_space<vmem_shared>> -> memref<640xf32, #tpu.memory_space<vmem_shared>>
      tpu.wait_dma2 semaphore(%run_scoped3A : memref<!tpu.dma_semaphore, #tpu.memory_space<semaphore_mem>>) src(%arg8 : memref<640xf32, #tpu.memory_space<vmem>>) dst(%dma_wait3A_62 : memref<640xf32, #tpu.memory_space<vmem_shared>>)
      tpu.yield
    }) : () -> ()
    %barrier3A = arith.constant 0 : index
    tpu.barrier barrier_id(%barrier3A)
    %scan3A_42 = arith.constant 0 : i32
    %scan3A_43 = arith.constant 0 : i32
    %scan3A_44 = arith.constant 79 : i32
    %scan3A_45 = arith.addi %scan3A_43, %scan3A_44 : i32
    %scan3A_46 = arith.constant 1 : i32
    scf.for %scan3A_61 = %scan3A_43 to %scan3A_45 step %scan3A_46  : i32 {
      %mul3A_62 = arith.constant 10112 : i32
      %mul3A_63 = arith.muli %add3A, %mul3A_62 : i32
      %mul3A_64 = arith.constant 128 : i32
      %mul3A_65 = arith.muli %scan3A_61, %mul3A_64 : i32
      %add3A_66 = arith.addi %mul3A_63, %mul3A_65 : i32
      "tpu.region"() ({
        %run_scoped3A = tpu.sem_alloc : memref<!tpu.dma_semaphore, #tpu.memory_space<semaphore_mem>>
        %dma_start3A = tpu.memref_slice %arg2[%add3A_66] : memref<323584xi32, #tpu.memory_space<hbm>> -> memref<128xi32, #tpu.memory_space<hbm>>
        %dma_start3A_67 = tpu.memref_slice %arg2[%add3A_66] : memref<323584xi32, #tpu.memory_space<hbm>> -> memref<128xi32, #tpu.memory_space<hbm>>
        tpu.enqueue_dma source(%dma_start3A_67 : memref<128xi32, #tpu.memory_space<hbm>>) target(%arg5 : memref<128xi32, #tpu.memory_space<vmem>>) target_semaphore(%run_scoped3A : memref<!tpu.dma_semaphore, #tpu.memory_space<semaphore_mem>>)
        %dma_wait3A = tpu.memref_slice %arg2[%add3A_66] : memref<323584xi32, #tpu.memory_space<hbm>> -> memref<128xi32, #tpu.memory_space<hbm>>
        %dma_wait3A_68 = tpu.memref_slice %arg2[%add3A_66] : memref<323584xi32, #tpu.memory_space<hbm>> -> memref<128xi32, #tpu.memory_space<hbm>>
        tpu.wait_dma2 semaphore(%run_scoped3A : memref<!tpu.dma_semaphore, #tpu.memory_space<semaphore_mem>>) src(%dma_wait3A_68 : memref<128xi32, #tpu.memory_space<hbm>>) dst(%arg5 : memref<128xi32, #tpu.memory_space<vmem>>)
        tpu.yield
      }) : () -> ()
      "tpu.region"() ({
        %run_scoped3A = tpu.sem_alloc : memref<!tpu.dma_semaphore, #tpu.memory_space<semaphore_mem>>
        %dma_start3A = tpu.memref_slice %arg3[%add3A_66] : memref<323584xi32, #tpu.memory_space<hbm>> -> memref<128xi32, #tpu.memory_space<hbm>>
        %dma_start3A_67 = tpu.memref_slice %arg3[%add3A_66] : memref<323584xi32, #tpu.memory_space<hbm>> -> memref<128xi32, #tpu.memory_space<hbm>>
        tpu.enqueue_dma source(%dma_start3A_67 : memref<128xi32, #tpu.memory_space<hbm>>) target(%arg6 : memref<128xi32, #tpu.memory_space<vmem>>) target_semaphore(%run_scoped3A : memref<!tpu.dma_semaphore, #tpu.memory_space<semaphore_mem>>)
        %dma_wait3A = tpu.memref_slice %arg3[%add3A_66] : memref<323584xi32, #tpu.memory_space<hbm>> -> memref<128xi32, #tpu.memory_space<hbm>>
        %dma_wait3A_68 = tpu.memref_slice %arg3[%add3A_66] : memref<323584xi32, #tpu.memory_space<hbm>> -> memref<128xi32, #tpu.memory_space<hbm>>
        tpu.wait_dma2 semaphore(%run_scoped3A : memref<!tpu.dma_semaphore, #tpu.memory_space<semaphore_mem>>) src(%dma_wait3A_68 : memref<128xi32, #tpu.memory_space<hbm>>) dst(%arg6 : memref<128xi32, #tpu.memory_space<vmem>>)
        tpu.yield
      }) : () -> ()
      "tpu.region"() ({
        %run_scoped3A = tpu.sem_alloc : memref<!tpu.dma_semaphore, #tpu.memory_space<semaphore_mem>>
        %dma_start3A = arith.constant 0 : i32
        %dma_start3A_67 = tpu.memref_slice %arg9[%dma_start3A] : memref<10240xf32, #tpu.memory_space<vmem_shared>> -> memref<10240xf32, #tpu.memory_space<vmem_shared>>
        tpu.enqueue_indirect_dma source(%arg7 : memref<128xf32, #tpu.memory_space<vmem>>) target(%dma_start3A_67 : memref<10240xf32, #tpu.memory_space<vmem_shared>>) offsets(%arg5 : memref<128xi32, #tpu.memory_space<vmem>>) semaphore(%run_scoped3A : memref<!tpu.dma_semaphore, #tpu.memory_space<semaphore_mem>>) {add = true}
        %dma_wait3A = arith.constant 0 : i32
        %dma_wait3A_68 = tpu.memref_slice %arg9[%dma_wait3A] : memref<10240xf32, #tpu.memory_space<vmem_shared>> -> memref<10240xf32, #tpu.memory_space<vmem_shared>>
        tpu.wait_indirect_dma semaphore(%run_scoped3A : memref<!tpu.dma_semaphore, #tpu.memory_space<semaphore_mem>>) src(%arg7 : memref<128xf32, #tpu.memory_space<vmem>>) dst(%dma_wait3A_68 : memref<10240xf32, #tpu.memory_space<vmem_shared>>)
        tpu.yield
      }) : () -> ()
      "tpu.region"() ({
        %run_scoped3A = tpu.sem_alloc : memref<!tpu.dma_semaphore, #tpu.memory_space<semaphore_mem>>
        %dma_start3A = arith.constant 0 : i32
        %dma_start3A_67 = tpu.memref_slice %arg10[%dma_start3A] : memref<10240xf32, #tpu.memory_space<vmem_shared>> -> memref<10240xf32, #tpu.memory_space<vmem_shared>>
        tpu.enqueue_indirect_dma source(%arg7 : memref<128xf32, #tpu.memory_space<vmem>>) target(%dma_start3A_67 : memref<10240xf32, #tpu.memory_space<vmem_shared>>) offsets(%arg6 : memref<128xi32, #tpu.memory_space<vmem>>) semaphore(%run_scoped3A : memref<!tpu.dma_semaphore, #tpu.memory_space<semaphore_mem>>) {add = true}
        %dma_wait3A = arith.constant 0 : i32
        %dma_wait3A_68 = tpu.memref_slice %arg10[%dma_wait3A] : memref<10240xf32, #tpu.memory_space<vmem_shared>> -> memref<10240xf32, #tpu.memory_space<vmem_shared>>
        tpu.wait_indirect_dma semaphore(%run_scoped3A : memref<!tpu.dma_semaphore, #tpu.memory_space<semaphore_mem>>) src(%arg7 : memref<128xf32, #tpu.memory_space<vmem>>) dst(%dma_wait3A_68 : memref<10240xf32, #tpu.memory_space<vmem_shared>>)
        tpu.yield
      }) : () -> ()
    }
    %scan3A_47 = arith.constant 79 : i32
    %barrier3A_48 = arith.constant 0 : index
    tpu.barrier barrier_id(%barrier3A_48)
    %mul3A_49 = arith.constant 2 : i32
    %mul3A_50 = arith.muli %arg0, %mul3A_49 : i32
    %mul3A_51 = arith.constant 10240 : i32
    %mul3A_52 = arith.muli %mul3A_50, %mul3A_51 : i32
    %add3A_53 = arith.addi %mul3A_52, %mul3A_41 : i32
    "tpu.region"() ({
      %run_scoped3A = tpu.sem_alloc : memref<!tpu.dma_semaphore, #tpu.memory_space<semaphore_mem>>
      %dma_start3A = tpu.memref_slice %arg4[%add3A_53] : memref<40960xf32, #tpu.memory_space<hbm>> -> memref<640xf32, #tpu.memory_space<hbm>>
      %dma_start3A_61 = tpu.memref_slice %arg9[%mul3A_41] : memref<10240xf32, #tpu.memory_space<vmem_shared>> -> memref<640xf32, #tpu.memory_space<vmem_shared>>
      tpu.enqueue_dma source(%dma_start3A_61 : memref<640xf32, #tpu.memory_space<vmem_shared>>) target(%dma_start3A : memref<640xf32, #tpu.memory_space<hbm>>) target_semaphore(%run_scoped3A : memref<!tpu.dma_semaphore, #tpu.memory_space<semaphore_mem>>)
      %dma_wait3A = tpu.memref_slice %arg4[%add3A_53] : memref<40960xf32, #tpu.memory_space<hbm>> -> memref<640xf32, #tpu.memory_space<hbm>>
      %dma_wait3A_62 = tpu.memref_slice %arg9[%mul3A_41] : memref<10240xf32, #tpu.memory_space<vmem_shared>> -> memref<640xf32, #tpu.memory_space<vmem_shared>>
      tpu.wait_dma2 semaphore(%run_scoped3A : memref<!tpu.dma_semaphore, #tpu.memory_space<semaphore_mem>>) src(%dma_wait3A_62 : memref<640xf32, #tpu.memory_space<vmem_shared>>) dst(%dma_wait3A : memref<640xf32, #tpu.memory_space<hbm>>)
      tpu.yield
    }) : () -> ()
    %mul3A_54 = arith.constant 2 : i32
    %mul3A_55 = arith.muli %arg0, %mul3A_54 : i32
    %mul3A_56 = arith.constant 10240 : i32
    %mul3A_57 = arith.muli %mul3A_55, %mul3A_56 : i32
    %add3A_58 = arith.constant 10240 : i32
    %add3A_59 = arith.addi %mul3A_57, %add3A_58 : i32
    %add3A_60 = arith.addi %add3A_59, %mul3A_41 : i32
    "tpu.region"() ({
      %run_scoped3A = tpu.sem_alloc : memref<!tpu.dma_semaphore, #tpu.memory_space<semaphore_mem>>
      %dma_start3A = tpu.memref_slice %arg4[%add3A_60] : memref<40960xf32, #tpu.memory_space<hbm>> -> memref<640xf32, #tpu.memory_space<hbm>>
      %dma_start3A_61 = tpu.memref_slice %arg10[%mul3A_41] : memref<10240xf32, #tpu.memory_space<vmem_shared>> -> memref<640xf32, #tpu.memory_space<vmem_shared>>
      tpu.enqueue_dma source(%dma_start3A_61 : memref<640xf32, #tpu.memory_space<vmem_shared>>) target(%dma_start3A : memref<640xf32, #tpu.memory_space<hbm>>) target_semaphore(%run_scoped3A : memref<!tpu.dma_semaphore, #tpu.memory_space<semaphore_mem>>)
      %dma_wait3A = tpu.memref_slice %arg4[%add3A_60] : memref<40960xf32, #tpu.memory_space<hbm>> -> memref<640xf32, #tpu.memory_space<hbm>>
      %dma_wait3A_62 = tpu.memref_slice %arg10[%mul3A_41] : memref<10240xf32, #tpu.memory_space<vmem_shared>> -> memref<640xf32, #tpu.memory_space<vmem_shared>>
      tpu.wait_dma2 semaphore(%run_scoped3A : memref<!tpu.dma_semaphore, #tpu.memory_space<semaphore_mem>>) src(%dma_wait3A_62 : memref<640xf32, #tpu.memory_space<vmem_shared>>) dst(%dma_wait3A : memref<640xf32, #tpu.memory_space<hbm>>)
      tpu.yield
    }) : () -> ()
    return
  }
}

#map = affine_map<(d0, d1) -> (0, 0)>
#map1 = affine_map<(d0, d1) -> (0)>
module attributes {stable_mosaic.version = 14 : i64} {
  func.func @k(%arg0: i32, %arg1: i32, %arg2: memref<10000x128xf32, #tpu.memory_space<hbm>>, %arg3: memref<323584xi32, #tpu.memory_space<hbm>>, %arg4: memref<323584xi32, #tpu.memory_space<hbm>>, %arg5: memref<640x128xf32, #tpu.memory_space<hbm>>, %arg6: memref<20480x128xf32, #tpu.memory_space<hbm>>, %arg7: memref<128xi32, #tpu.memory_space<vmem>>, %arg8: memref<128xi32, #tpu.memory_space<vmem>>, %arg9: memref<128x128xf32, #tpu.memory_space<vmem>>, %arg10: memref<10240x128xf32, #tpu.memory_space<vmem_shared>>, %arg11: memref<!tpu.dma_semaphore, #tpu.memory_space<semaphore_mem>>) attributes {dimension_semantics = [#tpu.dimension_semantics<core_parallel>, #tpu.dimension_semantics<subcore_parallel>], iteration_bounds = array<i64: 2, 16>, scalar_prefetch = 0 : i64, scratch_operands = 5 : i64, tpu.core_type = #tpu.core_type<sc_vector_subcore>, window_params = [{transform_indices = #map}, {transform_indices = #map1}, {transform_indices = #map1}, {transform_indices = #map}, {transform_indices = #map}]} {
    %mul3A = arith.constant 16 : i32
    %mul3A_0 = arith.muli %arg0, %mul3A : i32
    %add3A = arith.addi %mul3A_0, %arg1 : i32
    %mul3A_1 = arith.constant 640 : i32
    %mul3A_2 = arith.muli %arg1, %mul3A_1 : i32
    "tpu.region"() ({
      %run_scoped3A = tpu.sem_alloc : memref<!tpu.dma_semaphore, #tpu.memory_space<semaphore_mem>>
      %dma_start3A = arith.constant 0 : i32
      %dma_start3A_12 = tpu.memref_slice %arg10[%mul3A_2, %dma_start3A] : memref<10240x128xf32, #tpu.memory_space<vmem_shared>> -> memref<640x128xf32, #tpu.memory_space<vmem_shared>>
      tpu.enqueue_dma source(%arg5 : memref<640x128xf32, #tpu.memory_space<hbm>>) target(%dma_start3A_12 : memref<640x128xf32, #tpu.memory_space<vmem_shared>>) target_semaphore(%run_scoped3A : memref<!tpu.dma_semaphore, #tpu.memory_space<semaphore_mem>>)
      %dma_wait3A = arith.constant 0 : i32
      %dma_wait3A_13 = tpu.memref_slice %arg10[%mul3A_2, %dma_wait3A] : memref<10240x128xf32, #tpu.memory_space<vmem_shared>> -> memref<640x128xf32, #tpu.memory_space<vmem_shared>>
      tpu.wait_dma2 semaphore(%run_scoped3A : memref<!tpu.dma_semaphore, #tpu.memory_space<semaphore_mem>>) src(%arg5 : memref<640x128xf32, #tpu.memory_space<hbm>>) dst(%dma_wait3A_13 : memref<640x128xf32, #tpu.memory_space<vmem_shared>>)
      tpu.yield
    }) : () -> ()
    %barrier3A = arith.constant 0 : index
    tpu.barrier barrier_id(%barrier3A)
    %scan3A = arith.constant 0 : i32
    %scan3A_3 = arith.constant 0 : i32
    %scan3A_4 = arith.constant 79 : i32
    %scan3A_5 = arith.addi %scan3A_3, %scan3A_4 : i32
    %scan3A_6 = arith.constant 1 : i32
    scf.for %scan3A_12 = %scan3A_3 to %scan3A_5 step %scan3A_6  : i32 {
      %mul3A_13 = arith.constant 10112 : i32
      %mul3A_14 = arith.muli %add3A, %mul3A_13 : i32
      %mul3A_15 = arith.constant 128 : i32
      %mul3A_16 = arith.muli %scan3A_12, %mul3A_15 : i32
      %add3A_17 = arith.addi %mul3A_14, %mul3A_16 : i32
      "tpu.region"() ({
        %run_scoped3A = tpu.sem_alloc : memref<!tpu.dma_semaphore, #tpu.memory_space<semaphore_mem>>
        %dma_start3A_22 = tpu.memref_slice %arg3[%add3A_17] : memref<323584xi32, #tpu.memory_space<hbm>> -> memref<128xi32, #tpu.memory_space<hbm>>
        %dma_start3A_23 = tpu.memref_slice %arg3[%add3A_17] : memref<323584xi32, #tpu.memory_space<hbm>> -> memref<128xi32, #tpu.memory_space<hbm>>
        tpu.enqueue_dma source(%dma_start3A_23 : memref<128xi32, #tpu.memory_space<hbm>>) target(%arg7 : memref<128xi32, #tpu.memory_space<vmem>>) target_semaphore(%run_scoped3A : memref<!tpu.dma_semaphore, #tpu.memory_space<semaphore_mem>>)
        %dma_wait3A_24 = tpu.memref_slice %arg3[%add3A_17] : memref<323584xi32, #tpu.memory_space<hbm>> -> memref<128xi32, #tpu.memory_space<hbm>>
        %dma_wait3A_25 = tpu.memref_slice %arg3[%add3A_17] : memref<323584xi32, #tpu.memory_space<hbm>> -> memref<128xi32, #tpu.memory_space<hbm>>
        tpu.wait_dma2 semaphore(%run_scoped3A : memref<!tpu.dma_semaphore, #tpu.memory_space<semaphore_mem>>) src(%dma_wait3A_25 : memref<128xi32, #tpu.memory_space<hbm>>) dst(%arg7 : memref<128xi32, #tpu.memory_space<vmem>>)
        tpu.yield
      }) : () -> ()
      %dma_start3A = arith.constant 0 : i32
      %dma_start3A_18 = arith.constant 0 : i32
      %dma_start3A_19 = tpu.memref_slice %arg2[%dma_start3A, %dma_start3A_18] : memref<10000x128xf32, #tpu.memory_space<hbm>> -> memref<10000x128xf32, #tpu.memory_space<hbm>>
      tpu.enqueue_indirect_dma source(%dma_start3A_19 : memref<10000x128xf32, #tpu.memory_space<hbm>>) target(%arg9 : memref<128x128xf32, #tpu.memory_space<vmem>>) offsets(%arg7 : memref<128xi32, #tpu.memory_space<vmem>>) semaphore(%arg11 : memref<!tpu.dma_semaphore, #tpu.memory_space<semaphore_mem>>)
      %dma_wait3A = arith.constant 0 : i32
      %dma_wait3A_20 = arith.constant 0 : i32
      %dma_wait3A_21 = tpu.memref_slice %arg2[%dma_wait3A, %dma_wait3A_20] : memref<10000x128xf32, #tpu.memory_space<hbm>> -> memref<10000x128xf32, #tpu.memory_space<hbm>>
      tpu.wait_indirect_dma semaphore(%arg11 : memref<!tpu.dma_semaphore, #tpu.memory_space<semaphore_mem>>) src(%dma_wait3A_21 : memref<10000x128xf32, #tpu.memory_space<hbm>>) dst(%arg9 : memref<128x128xf32, #tpu.memory_space<vmem>>)
      "tpu.region"() ({
        %run_scoped3A = tpu.sem_alloc : memref<!tpu.dma_semaphore, #tpu.memory_space<semaphore_mem>>
        %dma_start3A_22 = tpu.memref_slice %arg4[%add3A_17] : memref<323584xi32, #tpu.memory_space<hbm>> -> memref<128xi32, #tpu.memory_space<hbm>>
        %dma_start3A_23 = tpu.memref_slice %arg4[%add3A_17] : memref<323584xi32, #tpu.memory_space<hbm>> -> memref<128xi32, #tpu.memory_space<hbm>>
        tpu.enqueue_dma source(%dma_start3A_23 : memref<128xi32, #tpu.memory_space<hbm>>) target(%arg8 : memref<128xi32, #tpu.memory_space<vmem>>) target_semaphore(%run_scoped3A : memref<!tpu.dma_semaphore, #tpu.memory_space<semaphore_mem>>)
        %dma_wait3A_24 = tpu.memref_slice %arg4[%add3A_17] : memref<323584xi32, #tpu.memory_space<hbm>> -> memref<128xi32, #tpu.memory_space<hbm>>
        %dma_wait3A_25 = tpu.memref_slice %arg4[%add3A_17] : memref<323584xi32, #tpu.memory_space<hbm>> -> memref<128xi32, #tpu.memory_space<hbm>>
        tpu.wait_dma2 semaphore(%run_scoped3A : memref<!tpu.dma_semaphore, #tpu.memory_space<semaphore_mem>>) src(%dma_wait3A_25 : memref<128xi32, #tpu.memory_space<hbm>>) dst(%arg8 : memref<128xi32, #tpu.memory_space<vmem>>)
        tpu.yield
      }) : () -> ()
      "tpu.region"() ({
        %run_scoped3A = tpu.sem_alloc : memref<!tpu.dma_semaphore, #tpu.memory_space<semaphore_mem>>
        %dma_start3A_22 = arith.constant 0 : i32
        %dma_start3A_23 = arith.constant 0 : i32
        %dma_start3A_24 = tpu.memref_slice %arg10[%dma_start3A_22, %dma_start3A_23] : memref<10240x128xf32, #tpu.memory_space<vmem_shared>> -> memref<10240x128xf32, #tpu.memory_space<vmem_shared>>
        tpu.enqueue_indirect_dma source(%arg9 : memref<128x128xf32, #tpu.memory_space<vmem>>) target(%dma_start3A_24 : memref<10240x128xf32, #tpu.memory_space<vmem_shared>>) offsets(%arg8 : memref<128xi32, #tpu.memory_space<vmem>>) semaphore(%run_scoped3A : memref<!tpu.dma_semaphore, #tpu.memory_space<semaphore_mem>>) {add = true}
        %dma_wait3A_25 = arith.constant 0 : i32
        %dma_wait3A_26 = arith.constant 0 : i32
        %dma_wait3A_27 = tpu.memref_slice %arg10[%dma_wait3A_25, %dma_wait3A_26] : memref<10240x128xf32, #tpu.memory_space<vmem_shared>> -> memref<10240x128xf32, #tpu.memory_space<vmem_shared>>
        tpu.wait_indirect_dma semaphore(%run_scoped3A : memref<!tpu.dma_semaphore, #tpu.memory_space<semaphore_mem>>) src(%arg9 : memref<128x128xf32, #tpu.memory_space<vmem>>) dst(%dma_wait3A_27 : memref<10240x128xf32, #tpu.memory_space<vmem_shared>>)
        tpu.yield
      }) : () -> ()
    }
    %scan3A_7 = arith.constant 79 : i32
    %barrier3A_8 = arith.constant 0 : index
    tpu.barrier barrier_id(%barrier3A_8)
    %mul3A_9 = arith.constant 10240 : i32
    %mul3A_10 = arith.muli %arg0, %mul3A_9 : i32
    %add3A_11 = arith.addi %mul3A_10, %mul3A_2 : i32
    "tpu.region"() ({
      %run_scoped3A = tpu.sem_alloc : memref<!tpu.dma_semaphore, #tpu.memory_space<semaphore_mem>>
      %dma_start3A = arith.constant 0 : i32
      %dma_start3A_12 = tpu.memref_slice %arg6[%add3A_11, %dma_start3A] : memref<20480x128xf32, #tpu.memory_space<hbm>> -> memref<640x128xf32, #tpu.memory_space<hbm>>
      %dma_start3A_13 = arith.constant 0 : i32
      %dma_start3A_14 = tpu.memref_slice %arg10[%mul3A_2, %dma_start3A_13] : memref<10240x128xf32, #tpu.memory_space<vmem_shared>> -> memref<640x128xf32, #tpu.memory_space<vmem_shared>>
      tpu.enqueue_dma source(%dma_start3A_14 : memref<640x128xf32, #tpu.memory_space<vmem_shared>>) target(%dma_start3A_12 : memref<640x128xf32, #tpu.memory_space<hbm>>) target_semaphore(%run_scoped3A : memref<!tpu.dma_semaphore, #tpu.memory_space<semaphore_mem>>)
      %dma_wait3A = arith.constant 0 : i32
      %dma_wait3A_15 = tpu.memref_slice %arg6[%add3A_11, %dma_wait3A] : memref<20480x128xf32, #tpu.memory_space<hbm>> -> memref<640x128xf32, #tpu.memory_space<hbm>>
      %dma_wait3A_16 = arith.constant 0 : i32
      %dma_wait3A_17 = tpu.memref_slice %arg10[%mul3A_2, %dma_wait3A_16] : memref<10240x128xf32, #tpu.memory_space<vmem_shared>> -> memref<640x128xf32, #tpu.memory_space<vmem_shared>>
      tpu.wait_dma2 semaphore(%run_scoped3A : memref<!tpu.dma_semaphore, #tpu.memory_space<semaphore_mem>>) src(%dma_wait3A_17 : memref<640x128xf32, #tpu.memory_space<vmem_shared>>) dst(%dma_wait3A_15 : memref<640x128xf32, #tpu.memory_space<hbm>>)
      tpu.yield
    }) : () -> ()
    return
  }
}

#map = affine_map<(d0, d1) -> (0, 0)>
#map1 = affine_map<(d0, d1) -> (0)>
module attributes {stable_mosaic.version = 14 : i64} {
  func.func @k(%arg0: i32, %arg1: i32, %arg2: memref<10000x128xf32, #tpu.memory_space<hbm>>, %arg3: memref<323584xi32, #tpu.memory_space<hbm>>, %arg4: memref<323584xi32, #tpu.memory_space<hbm>>, %arg5: memref<640x128xf32, #tpu.memory_space<hbm>>, %arg6: memref<20480x128xf32, #tpu.memory_space<hbm>>, %arg7: memref<128xi32, #tpu.memory_space<vmem>>, %arg8: memref<128xi32, #tpu.memory_space<vmem>>, %arg9: memref<128x128xf32, #tpu.memory_space<vmem>>, %arg10: memref<10240x128xf32, #tpu.memory_space<vmem_shared>>, %arg11: memref<!tpu.dma_semaphore, #tpu.memory_space<semaphore_mem>>) attributes {dimension_semantics = [#tpu.dimension_semantics<core_parallel>, #tpu.dimension_semantics<subcore_parallel>], iteration_bounds = array<i64: 2, 16>, scalar_prefetch = 0 : i64, scratch_operands = 5 : i64, tpu.core_type = #tpu.core_type<sc_vector_subcore>, window_params = [{transform_indices = #map}, {transform_indices = #map1}, {transform_indices = #map1}, {transform_indices = #map}, {transform_indices = #map}]} {
    %mul3A = arith.constant 16 : i32
    %mul3A_0 = arith.muli %arg0, %mul3A : i32
    %add3A = arith.addi %mul3A_0, %arg1 : i32
    %mul3A_1 = arith.constant 640 : i32
    %mul3A_2 = arith.muli %arg1, %mul3A_1 : i32
    "tpu.region"() ({
      %run_scoped3A = tpu.sem_alloc : memref<!tpu.dma_semaphore, #tpu.memory_space<semaphore_mem>>
      %dma_start3A = arith.constant 0 : i32
      %dma_start3A_12 = tpu.memref_slice %arg10[%mul3A_2, %dma_start3A] : memref<10240x128xf32, #tpu.memory_space<vmem_shared>> -> memref<640x128xf32, #tpu.memory_space<vmem_shared>>
      tpu.enqueue_dma source(%arg5 : memref<640x128xf32, #tpu.memory_space<hbm>>) target(%dma_start3A_12 : memref<640x128xf32, #tpu.memory_space<vmem_shared>>) target_semaphore(%run_scoped3A : memref<!tpu.dma_semaphore, #tpu.memory_space<semaphore_mem>>)
      %dma_wait3A = arith.constant 0 : i32
      %dma_wait3A_13 = tpu.memref_slice %arg10[%mul3A_2, %dma_wait3A] : memref<10240x128xf32, #tpu.memory_space<vmem_shared>> -> memref<640x128xf32, #tpu.memory_space<vmem_shared>>
      tpu.wait_dma2 semaphore(%run_scoped3A : memref<!tpu.dma_semaphore, #tpu.memory_space<semaphore_mem>>) src(%arg5 : memref<640x128xf32, #tpu.memory_space<hbm>>) dst(%dma_wait3A_13 : memref<640x128xf32, #tpu.memory_space<vmem_shared>>)
      tpu.yield
    }) : () -> ()
    %barrier3A = arith.constant 0 : index
    tpu.barrier barrier_id(%barrier3A)
    %scan3A = arith.constant 0 : i32
    %scan3A_3 = arith.constant 0 : i32
    %scan3A_4 = arith.constant 79 : i32
    %scan3A_5 = arith.addi %scan3A_3, %scan3A_4 : i32
    %scan3A_6 = arith.constant 1 : i32
    scf.for %scan3A_12 = %scan3A_3 to %scan3A_5 step %scan3A_6  : i32 {
      %mul3A_13 = arith.constant 10112 : i32
      %mul3A_14 = arith.muli %add3A, %mul3A_13 : i32
      %mul3A_15 = arith.constant 128 : i32
      %mul3A_16 = arith.muli %scan3A_12, %mul3A_15 : i32
      %add3A_17 = arith.addi %mul3A_14, %mul3A_16 : i32
      "tpu.region"() ({
        %run_scoped3A = tpu.sem_alloc : memref<!tpu.dma_semaphore, #tpu.memory_space<semaphore_mem>>
        %dma_start3A_22 = tpu.memref_slice %arg3[%add3A_17] : memref<323584xi32, #tpu.memory_space<hbm>> -> memref<128xi32, #tpu.memory_space<hbm>>
        %dma_start3A_23 = tpu.memref_slice %arg3[%add3A_17] : memref<323584xi32, #tpu.memory_space<hbm>> -> memref<128xi32, #tpu.memory_space<hbm>>
        tpu.enqueue_dma source(%dma_start3A_23 : memref<128xi32, #tpu.memory_space<hbm>>) target(%arg7 : memref<128xi32, #tpu.memory_space<vmem>>) target_semaphore(%run_scoped3A : memref<!tpu.dma_semaphore, #tpu.memory_space<semaphore_mem>>)
        %dma_wait3A_24 = tpu.memref_slice %arg3[%add3A_17] : memref<323584xi32, #tpu.memory_space<hbm>> -> memref<128xi32, #tpu.memory_space<hbm>>
        %dma_wait3A_25 = tpu.memref_slice %arg3[%add3A_17] : memref<323584xi32, #tpu.memory_space<hbm>> -> memref<128xi32, #tpu.memory_space<hbm>>
        tpu.wait_dma2 semaphore(%run_scoped3A : memref<!tpu.dma_semaphore, #tpu.memory_space<semaphore_mem>>) src(%dma_wait3A_25 : memref<128xi32, #tpu.memory_space<hbm>>) dst(%arg7 : memref<128xi32, #tpu.memory_space<vmem>>)
        tpu.yield
      }) : () -> ()
      %dma_start3A = arith.constant 0 : i32
      %dma_start3A_18 = arith.constant 0 : i32
      %dma_start3A_19 = tpu.memref_slice %arg2[%dma_start3A, %dma_start3A_18] : memref<10000x128xf32, #tpu.memory_space<hbm>> -> memref<10000x128xf32, #tpu.memory_space<hbm>>
      tpu.enqueue_indirect_dma source(%dma_start3A_19 : memref<10000x128xf32, #tpu.memory_space<hbm>>) target(%arg9 : memref<128x128xf32, #tpu.memory_space<vmem>>) offsets(%arg7 : memref<128xi32, #tpu.memory_space<vmem>>) semaphore(%arg11 : memref<!tpu.dma_semaphore, #tpu.memory_space<semaphore_mem>>)
      %dma_wait3A = arith.constant 0 : i32
      %dma_wait3A_20 = arith.constant 0 : i32
      %dma_wait3A_21 = tpu.memref_slice %arg2[%dma_wait3A, %dma_wait3A_20] : memref<10000x128xf32, #tpu.memory_space<hbm>> -> memref<10000x128xf32, #tpu.memory_space<hbm>>
      tpu.wait_indirect_dma semaphore(%arg11 : memref<!tpu.dma_semaphore, #tpu.memory_space<semaphore_mem>>) src(%dma_wait3A_21 : memref<10000x128xf32, #tpu.memory_space<hbm>>) dst(%arg9 : memref<128x128xf32, #tpu.memory_space<vmem>>)
      "tpu.region"() ({
        %run_scoped3A = tpu.sem_alloc : memref<!tpu.dma_semaphore, #tpu.memory_space<semaphore_mem>>
        %dma_start3A_22 = tpu.memref_slice %arg4[%add3A_17] : memref<323584xi32, #tpu.memory_space<hbm>> -> memref<128xi32, #tpu.memory_space<hbm>>
        %dma_start3A_23 = tpu.memref_slice %arg4[%add3A_17] : memref<323584xi32, #tpu.memory_space<hbm>> -> memref<128xi32, #tpu.memory_space<hbm>>
        tpu.enqueue_dma source(%dma_start3A_23 : memref<128xi32, #tpu.memory_space<hbm>>) target(%arg8 : memref<128xi32, #tpu.memory_space<vmem>>) target_semaphore(%run_scoped3A : memref<!tpu.dma_semaphore, #tpu.memory_space<semaphore_mem>>)
        %dma_wait3A_24 = tpu.memref_slice %arg4[%add3A_17] : memref<323584xi32, #tpu.memory_space<hbm>> -> memref<128xi32, #tpu.memory_space<hbm>>
        %dma_wait3A_25 = tpu.memref_slice %arg4[%add3A_17] : memref<323584xi32, #tpu.memory_space<hbm>> -> memref<128xi32, #tpu.memory_space<hbm>>
        tpu.wait_dma2 semaphore(%run_scoped3A : memref<!tpu.dma_semaphore, #tpu.memory_space<semaphore_mem>>) src(%dma_wait3A_25 : memref<128xi32, #tpu.memory_space<hbm>>) dst(%arg8 : memref<128xi32, #tpu.memory_space<vmem>>)
        tpu.yield
      }) : () -> ()
      "tpu.region"() ({
        %run_scoped3A = tpu.sem_alloc : memref<!tpu.dma_semaphore, #tpu.memory_space<semaphore_mem>>
        %dma_start3A_22 = arith.constant 0 : i32
        %dma_start3A_23 = arith.constant 0 : i32
        %dma_start3A_24 = tpu.memref_slice %arg10[%dma_start3A_22, %dma_start3A_23] : memref<10240x128xf32, #tpu.memory_space<vmem_shared>> -> memref<10240x128xf32, #tpu.memory_space<vmem_shared>>
        tpu.enqueue_indirect_dma source(%arg9 : memref<128x128xf32, #tpu.memory_space<vmem>>) target(%dma_start3A_24 : memref<10240x128xf32, #tpu.memory_space<vmem_shared>>) offsets(%arg8 : memref<128xi32, #tpu.memory_space<vmem>>) semaphore(%run_scoped3A : memref<!tpu.dma_semaphore, #tpu.memory_space<semaphore_mem>>) {add = true}
        %dma_wait3A_25 = arith.constant 0 : i32
        %dma_wait3A_26 = arith.constant 0 : i32
        %dma_wait3A_27 = tpu.memref_slice %arg10[%dma_wait3A_25, %dma_wait3A_26] : memref<10240x128xf32, #tpu.memory_space<vmem_shared>> -> memref<10240x128xf32, #tpu.memory_space<vmem_shared>>
        tpu.wait_indirect_dma semaphore(%run_scoped3A : memref<!tpu.dma_semaphore, #tpu.memory_space<semaphore_mem>>) src(%arg9 : memref<128x128xf32, #tpu.memory_space<vmem>>) dst(%dma_wait3A_27 : memref<10240x128xf32, #tpu.memory_space<vmem_shared>>)
        tpu.yield
      }) : () -> ()
    }
    %scan3A_7 = arith.constant 79 : i32
    %barrier3A_8 = arith.constant 0 : index
    tpu.barrier barrier_id(%barrier3A_8)
    %mul3A_9 = arith.constant 10240 : i32
    %mul3A_10 = arith.muli %arg0, %mul3A_9 : i32
    %add3A_11 = arith.addi %mul3A_10, %mul3A_2 : i32
    "tpu.region"() ({
      %run_scoped3A = tpu.sem_alloc : memref<!tpu.dma_semaphore, #tpu.memory_space<semaphore_mem>>
      %dma_start3A = arith.constant 0 : i32
      %dma_start3A_12 = tpu.memref_slice %arg6[%add3A_11, %dma_start3A] : memref<20480x128xf32, #tpu.memory_space<hbm>> -> memref<640x128xf32, #tpu.memory_space<hbm>>
      %dma_start3A_13 = arith.constant 0 : i32
      %dma_start3A_14 = tpu.memref_slice %arg10[%mul3A_2, %dma_start3A_13] : memref<10240x128xf32, #tpu.memory_space<vmem_shared>> -> memref<640x128xf32, #tpu.memory_space<vmem_shared>>
      tpu.enqueue_dma source(%dma_start3A_14 : memref<640x128xf32, #tpu.memory_space<vmem_shared>>) target(%dma_start3A_12 : memref<640x128xf32, #tpu.memory_space<hbm>>) target_semaphore(%run_scoped3A : memref<!tpu.dma_semaphore, #tpu.memory_space<semaphore_mem>>)
      %dma_wait3A = arith.constant 0 : i32
      %dma_wait3A_15 = tpu.memref_slice %arg6[%add3A_11, %dma_wait3A] : memref<20480x128xf32, #tpu.memory_space<hbm>> -> memref<640x128xf32, #tpu.memory_space<hbm>>
      %dma_wait3A_16 = arith.constant 0 : i32
      %dma_wait3A_17 = tpu.memref_slice %arg10[%mul3A_2, %dma_wait3A_16] : memref<10240x128xf32, #tpu.memory_space<vmem_shared>> -> memref<640x128xf32, #tpu.memory_space<vmem_shared>>
      tpu.wait_dma2 semaphore(%run_scoped3A : memref<!tpu.dma_semaphore, #tpu.memory_space<semaphore_mem>>) src(%dma_wait3A_17 : memref<640x128xf32, #tpu.memory_space<vmem_shared>>) dst(%dma_wait3A_15 : memref<640x128xf32, #tpu.memory_space<hbm>>)
      tpu.yield
    }) : () -> ()
    return
  }
}

module attributes {stable_mosaic.version = 14 : i64} {
  func.func @body(%arg0: i32, %arg1: memref<2x2x1024xf32, #tpu.memory_space<vmem>>, %arg2: memref<1024x128xf32, #tpu.memory_space<vmem>>, %arg3: memref<1024x128xf32, #tpu.memory_space<vmem>>, %arg4: memref<1024xf32, #tpu.memory_space<vmem>>, %arg5: memref<1024xf32, #tpu.memory_space<vmem>>) attributes {dimension_semantics = [#tpu.dimension_semantics<arbitrary>], iteration_bounds = array<i64: 10>, scalar_prefetch = 0 : i64, scratch_operands = 0 : i64, tpu.core_type = #tpu.core_type<tc>, window_params = [{transform_indices = @transform_0, window_bounds = array<i64: 2, 2, 1024>}, {transform_indices = @transform_1, window_bounds = array<i64: 1024, 128>}, {transform_indices = @transform_2, window_bounds = array<i64: 1024, 128>}, {transform_indices = @transform_3, window_bounds = array<i64: 1024>}, {transform_indices = @transform_4, window_bounds = array<i64: 1024>}]} {
    %get3A = arith.constant 0 : index
    %get3A_0 = arith.constant 0 : index
    %get3A_1 = arith.constant 0 : index
    %get3A_2 = vector.load %arg1[%get3A, %get3A_0, %get3A_1] : memref<2x2x1024xf32, #tpu.memory_space<vmem>>, vector<1x1x1024xf32>
    %get3A_3 = vector.shape_cast %get3A_2 : vector<1x1x1024xf32> to vector<1024xf32>
    %get3A_4 = arith.constant 1 : index
    %get3A_5 = arith.constant 0 : index
    %get3A_6 = arith.constant 0 : index
    %get3A_7 = vector.load %arg1[%get3A_4, %get3A_5, %get3A_6] : memref<2x2x1024xf32, #tpu.memory_space<vmem>>, vector<1x1x1024xf32>
    %get3A_8 = vector.shape_cast %get3A_7 : vector<1x1x1024xf32> to vector<1024xf32>
    %add3A = arith.addf %get3A_3, %get3A_8 : vector<1024xf32>
    %get3A_9 = arith.constant 0 : index
    %get3A_10 = arith.constant 1 : index
    %get3A_11 = arith.constant 0 : index
    %get3A_12 = vector.load %arg1[%get3A_9, %get3A_10, %get3A_11] : memref<2x2x1024xf32, #tpu.memory_space<vmem>>, vector<1x1x1024xf32>
    %get3A_13 = vector.shape_cast %get3A_12 : vector<1x1x1024xf32> to vector<1024xf32>
    %get3A_14 = arith.constant 1 : index
    %get3A_15 = arith.constant 1 : index
    %get3A_16 = arith.constant 0 : index
    %get3A_17 = vector.load %arg1[%get3A_14, %get3A_15, %get3A_16] : memref<2x2x1024xf32, #tpu.memory_space<vmem>>, vector<1x1x1024xf32>
    %get3A_18 = vector.shape_cast %get3A_17 : vector<1x1x1024xf32> to vector<1024xf32>
    %add3A_19 = arith.addf %get3A_13, %get3A_18 : vector<1024xf32>
    %max3A = arith.constant 1.000000e+00 : f32
    %max3A_20 = vector.broadcast %max3A : f32 to vector<1024xf32>
    %max3A_21 = arith.maximumf %add3A, %max3A_20 : vector<1024xf32>
    %rsqrt3A = math.rsqrt %max3A_21 : vector<1024xf32>
    %max3A_22 = arith.constant 1.000000e+00 : f32
    %max3A_23 = vector.broadcast %max3A_22 : f32 to vector<1024xf32>
    %max3A_24 = arith.maximumf %add3A_19, %max3A_23 : vector<1024xf32>
    %rsqrt3A_25 = math.rsqrt %max3A_24 : vector<1024xf32>
    %swap3A = arith.constant 0 : index
    %swap3A_26 = vector.load %arg4[%swap3A] : memref<1024xf32, #tpu.memory_space<vmem>>, vector<1024xf32>
    tpu.vector_store %arg4[%swap3A], %rsqrt3A {strides = array<i32>} : memref<1024xf32, #tpu.memory_space<vmem>>, vector<1024xf32>,
    %swap3A_27 = arith.constant 0 : index
    %swap3A_28 = vector.load %arg5[%swap3A_27] : memref<1024xf32, #tpu.memory_space<vmem>>, vector<1024xf32>
    tpu.vector_store %arg5[%swap3A_27], %rsqrt3A_25 {strides = array<i32>} : memref<1024xf32, #tpu.memory_space<vmem>>, vector<1024xf32>,
    %get3A_29 = arith.constant 0 : index
    %get3A_30 = arith.constant 0 : index
    %get3A_31 = vector.load %arg2[%get3A_29, %get3A_30] : memref<1024x128xf32, #tpu.memory_space<vmem>>, vector<1024x128xf32>
    %broadcast_in_dim3A = vector.shape_cast %rsqrt3A : vector<1024xf32> to vector<1024x1xf32>
    %mul3A = vector.broadcast %broadcast_in_dim3A : vector<1024x1xf32> to vector<1024x128xf32>
    %mul3A_32 = arith.mulf %get3A_31, %mul3A : vector<1024x128xf32>
    %swap3A_33 = arith.constant 0 : index
    %swap3A_34 = arith.constant 0 : index
    %swap3A_35 = vector.load %arg3[%swap3A_33, %swap3A_34] : memref<1024x128xf32, #tpu.memory_space<vmem>>, vector<1024x128xf32>
    tpu.vector_store %arg3[%swap3A_33, %swap3A_34], %mul3A_32 {strides = array<i32>} : memref<1024x128xf32, #tpu.memory_space<vmem>>, vector<1024x128xf32>,
    return
  }
  func.func @transform_0(%arg0: i32) -> (i32, i32, i32) {
    %c0_i32 = arith.constant 0 : i32
    %c0_i32_0 = arith.constant 0 : i32
    %c0_i32_1 = arith.constant 0 : i32
    return %c0_i32, %c0_i32_0, %arg0 : i32, i32, i32
  }
  func.func @transform_1(%arg0: i32) -> (i32, i32) {
    %c0_i32 = arith.constant 0 : i32
    %c0_i32_0 = arith.constant 0 : i32
    return %arg0, %c0_i32 : i32, i32
  }
  func.func @transform_2(%arg0: i32) -> (i32, i32) {
    %c0_i32 = arith.constant 0 : i32
    %c0_i32_0 = arith.constant 0 : i32
    return %arg0, %c0_i32 : i32, i32
  }
  func.func @transform_3(%arg0: i32) -> i32 {
    %c0_i32 = arith.constant 0 : i32
    return %arg0 : i32
  }
  func.func @transform_4(%arg0: i32) -> i32 {
    %c0_i32 = arith.constant 0 : i32
    return %arg0 : i32
  }
}

module attributes {stable_mosaic.version = 14 : i64} {
  func.func @body(%arg0: i32, %arg1: memref<2x1024x128xf32, #tpu.memory_space<vmem>>, %arg2: memref<1024xf32, #tpu.memory_space<vmem>>, %arg3: memref<1024xf32, #tpu.memory_space<vmem>>, %arg4: memref<128x128xf32, #tpu.memory_space<vmem>>, %arg5: memref<1x128xf32, #tpu.memory_space<vmem>>, %arg6: memref<1024x128xf32, #tpu.memory_space<vmem>>) attributes {dimension_semantics = [#tpu.dimension_semantics<arbitrary>], iteration_bounds = array<i64: 10>, scalar_prefetch = 0 : i64, scratch_operands = 0 : i64, tpu.core_type = #tpu.core_type<tc>, window_params = [{transform_indices = @transform_0, window_bounds = array<i64: 2, 1024, 128>}, {transform_indices = @transform_1, window_bounds = array<i64: 1024>}, {transform_indices = @transform_2, window_bounds = array<i64: 1024>}, {pipeline_mode = #tpu.pipeline_mode<synchronous>, transform_indices = @transform_3, window_bounds = array<i64: 128, 128>}, {pipeline_mode = #tpu.pipeline_mode<synchronous>, transform_indices = @transform_4, window_bounds = array<i64: 1, 128>}, {transform_indices = @transform_5, window_bounds = array<i64: 1024, 128>}]} {
    %get3A = arith.constant 0 : index
    %get3A_0 = arith.constant 0 : index
    %get3A_1 = arith.constant 0 : index
    %get3A_2 = vector.load %arg1[%get3A, %get3A_0, %get3A_1] : memref<2x1024x128xf32, #tpu.memory_space<vmem>>, vector<1x1024x128xf32>
    %get3A_3 = vector.shape_cast %get3A_2 : vector<1x1024x128xf32> to vector<1024x128xf32>
    %get3A_4 = arith.constant 1 : index
    %get3A_5 = arith.constant 0 : index
    %get3A_6 = arith.constant 0 : index
    %get3A_7 = vector.load %arg1[%get3A_4, %get3A_5, %get3A_6] : memref<2x1024x128xf32, #tpu.memory_space<vmem>>, vector<1x1024x128xf32>
    %get3A_8 = vector.shape_cast %get3A_7 : vector<1x1024x128xf32> to vector<1024x128xf32>
    %add3A = arith.addf %get3A_3, %get3A_8 : vector<1024x128xf32>
    %get3A_9 = arith.constant 0 : index
    %get3A_10 = vector.load %arg2[%get3A_9] : memref<1024xf32, #tpu.memory_space<vmem>>, vector<1024xf32>
    %broadcast_in_dim3A = vector.shape_cast %get3A_10 : vector<1024xf32> to vector<1024x1xf32>
    %mul3A = vector.broadcast %broadcast_in_dim3A : vector<1024x1xf32> to vector<1024x128xf32>
    %mul3A_11 = arith.mulf %add3A, %mul3A : vector<1024x128xf32>
    %get3A_12 = arith.constant 0 : index
    %get3A_13 = arith.constant 0 : index
    %get3A_14 = vector.load %arg4[%get3A_12, %get3A_13] : memref<128x128xf32, #tpu.memory_space<vmem>>, vector<128x128xf32>
    %dot_general3A = arith.constant dense<0.000000e+00> : vector<1024x128xf32>
    %dot_general3A_15 = tpu.matmul %mul3A_11, %get3A_14, %dot_general3A {dimension_numbers = #tpu.dot_dimension_numbers<[1], [0], [0], [1], [0, 0, 1, 1], [], []>, transpose_lhs_hint = false} : vector<1024x128xf32>, vector<128x128xf32>, vector<1024x128xf32> -> vector<1024x128xf32>
    %get3A_16 = arith.constant 0 : index
    %get3A_17 = arith.constant 0 : index
    %get3A_18 = vector.load %arg5[%get3A_16, %get3A_17] : memref<1x128xf32, #tpu.memory_space<vmem>>, vector<1x128xf32>
    %add3A_19 = vector.broadcast %get3A_18 : vector<1x128xf32> to vector<1024x128xf32>
    %add3A_20 = arith.addf %dot_general3A_15, %add3A_19 : vector<1024x128xf32>
    %max3A = arith.constant 0.000000e+00 : f32
    %max3A_21 = vector.broadcast %max3A : f32 to vector<1024x128xf32>
    %max3A_22 = arith.maximumf %add3A_20, %max3A_21 : vector<1024x128xf32>
    %get3A_23 = arith.constant 0 : index
    %get3A_24 = vector.load %arg3[%get3A_23] : memref<1024xf32, #tpu.memory_space<vmem>>, vector<1024xf32>
    %broadcast_in_dim3A_25 = vector.shape_cast %get3A_24 : vector<1024xf32> to vector<1024x1xf32>
    %mul3A_26 = vector.broadcast %broadcast_in_dim3A_25 : vector<1024x1xf32> to vector<1024x128xf32>
    %mul3A_27 = arith.mulf %max3A_22, %mul3A_26 : vector<1024x128xf32>
    %swap3A = arith.constant 0 : index
    %swap3A_28 = arith.constant 0 : index
    %swap3A_29 = vector.load %arg6[%swap3A, %swap3A_28] : memref<1024x128xf32, #tpu.memory_space<vmem>>, vector<1024x128xf32>
    tpu.vector_store %arg6[%swap3A, %swap3A_28], %mul3A_27 {strides = array<i32>} : memref<1024x128xf32, #tpu.memory_space<vmem>>, vector<1024x128xf32>,
    return
  }
  func.func @transform_0(%arg0: i32) -> (i32, i32, i32) {
    %c0_i32 = arith.constant 0 : i32
    %c0_i32_0 = arith.constant 0 : i32
    %c0_i32_1 = arith.constant 0 : i32
    return %c0_i32, %arg0, %c0_i32_0 : i32, i32, i32
  }
  func.func @transform_1(%arg0: i32) -> i32 {
    %c0_i32 = arith.constant 0 : i32
    return %arg0 : i32
  }
  func.func @transform_2(%arg0: i32) -> i32 {
    %c0_i32 = arith.constant 0 : i32
    return %arg0 : i32
  }
  func.func @transform_3(%arg0: i32) -> (i32, i32) {
    %c0_i32 = arith.constant 0 : i32
    %c0_i32_0 = arith.constant 0 : i32
    %c0_i32_1 = arith.constant 0 : i32
    return %c0_i32, %c0_i32_0 : i32, i32
  }
  func.func @transform_4(%arg0: i32) -> (i32, i32) {
    %c0_i32 = arith.constant 0 : i32
    %c0_i32_0 = arith.constant 0 : i32
    %c0_i32_1 = arith.constant 0 : i32
    return %c0_i32, %c0_i32_0 : i32, i32
  }
  func.func @transform_5(%arg0: i32) -> (i32, i32) {
    %c0_i32 = arith.constant 0 : i32
    %c0_i32_0 = arith.constant 0 : i32
    return %arg0, %c0_i32 : i32, i32
  }
}

module attributes {stable_mosaic.version = 14 : i64} {
  func.func @body(%arg0: i32, %arg1: memref<2x1024x128xf32, #tpu.memory_space<vmem>>, %arg2: memref<1024xf32, #tpu.memory_space<vmem>>, %arg3: memref<1024xf32, #tpu.memory_space<vmem>>, %arg4: memref<128x128xf32, #tpu.memory_space<vmem>>, %arg5: memref<1x128xf32, #tpu.memory_space<vmem>>, %arg6: memref<1024x128xf32, #tpu.memory_space<vmem>>) attributes {dimension_semantics = [#tpu.dimension_semantics<arbitrary>], iteration_bounds = array<i64: 10>, scalar_prefetch = 0 : i64, scratch_operands = 0 : i64, tpu.core_type = #tpu.core_type<tc>, window_params = [{transform_indices = @transform_0, window_bounds = array<i64: 2, 1024, 128>}, {transform_indices = @transform_1, window_bounds = array<i64: 1024>}, {transform_indices = @transform_2, window_bounds = array<i64: 1024>}, {pipeline_mode = #tpu.pipeline_mode<synchronous>, transform_indices = @transform_3, window_bounds = array<i64: 128, 128>}, {pipeline_mode = #tpu.pipeline_mode<synchronous>, transform_indices = @transform_4, window_bounds = array<i64: 1, 128>}, {transform_indices = @transform_5, window_bounds = array<i64: 1024, 128>}]} {
    %get3A = arith.constant 0 : index
    %get3A_0 = arith.constant 0 : index
    %get3A_1 = arith.constant 0 : index
    %get3A_2 = vector.load %arg1[%get3A, %get3A_0, %get3A_1] : memref<2x1024x128xf32, #tpu.memory_space<vmem>>, vector<1x1024x128xf32>
    %get3A_3 = vector.shape_cast %get3A_2 : vector<1x1024x128xf32> to vector<1024x128xf32>
    %get3A_4 = arith.constant 1 : index
    %get3A_5 = arith.constant 0 : index
    %get3A_6 = arith.constant 0 : index
    %get3A_7 = vector.load %arg1[%get3A_4, %get3A_5, %get3A_6] : memref<2x1024x128xf32, #tpu.memory_space<vmem>>, vector<1x1024x128xf32>
    %get3A_8 = vector.shape_cast %get3A_7 : vector<1x1024x128xf32> to vector<1024x128xf32>
    %add3A = arith.addf %get3A_3, %get3A_8 : vector<1024x128xf32>
    %get3A_9 = arith.constant 0 : index
    %get3A_10 = vector.load %arg2[%get3A_9] : memref<1024xf32, #tpu.memory_space<vmem>>, vector<1024xf32>
    %broadcast_in_dim3A = vector.shape_cast %get3A_10 : vector<1024xf32> to vector<1024x1xf32>
    %mul3A = vector.broadcast %broadcast_in_dim3A : vector<1024x1xf32> to vector<1024x128xf32>
    %mul3A_11 = arith.mulf %add3A, %mul3A : vector<1024x128xf32>
    %get3A_12 = arith.constant 0 : index
    %get3A_13 = arith.constant 0 : index
    %get3A_14 = vector.load %arg4[%get3A_12, %get3A_13] : memref<128x128xf32, #tpu.memory_space<vmem>>, vector<128x128xf32>
    %dot_general3A = arith.constant dense<0.000000e+00> : vector<1024x128xf32>
    %dot_general3A_15 = tpu.matmul %mul3A_11, %get3A_14, %dot_general3A {dimension_numbers = #tpu.dot_dimension_numbers<[1], [0], [0], [1], [0, 0, 1, 1], [], []>, transpose_lhs_hint = false} : vector<1024x128xf32>, vector<128x128xf32>, vector<1024x128xf32> -> vector<1024x128xf32>
    %get3A_16 = arith.constant 0 : index
    %get3A_17 = arith.constant 0 : index
    %get3A_18 = vector.load %arg5[%get3A_16, %get3A_17] : memref<1x128xf32, #tpu.memory_space<vmem>>, vector<1x128xf32>
    %add3A_19 = vector.broadcast %get3A_18 : vector<1x128xf32> to vector<1024x128xf32>
    %add3A_20 = arith.addf %dot_general3A_15, %add3A_19 : vector<1024x128xf32>
    %swap3A = arith.constant 0 : index
    %swap3A_21 = arith.constant 0 : index
    %swap3A_22 = vector.load %arg6[%swap3A, %swap3A_21] : memref<1024x128xf32, #tpu.memory_space<vmem>>, vector<1024x128xf32>
    tpu.vector_store %arg6[%swap3A, %swap3A_21], %add3A_20 {strides = array<i32>} : memref<1024x128xf32, #tpu.memory_space<vmem>>, vector<1024x128xf32>,
    return
  }
  func.func @transform_0(%arg0: i32) -> (i32, i32, i32) {
    %c0_i32 = arith.constant 0 : i32
    %c0_i32_0 = arith.constant 0 : i32
    %c0_i32_1 = arith.constant 0 : i32
    return %c0_i32, %arg0, %c0_i32_0 : i32, i32, i32
  }
  func.func @transform_1(%arg0: i32) -> i32 {
    %c0_i32 = arith.constant 0 : i32
    return %arg0 : i32
  }
  func.func @transform_2(%arg0: i32) -> i32 {
    %c0_i32 = arith.constant 0 : i32
    return %arg0 : i32
  }
  func.func @transform_3(%arg0: i32) -> (i32, i32) {
    %c0_i32 = arith.constant 0 : i32
    %c0_i32_0 = arith.constant 0 : i32
    %c0_i32_1 = arith.constant 0 : i32
    return %c0_i32, %c0_i32_0 : i32, i32
  }
  func.func @transform_4(%arg0: i32) -> (i32, i32) {
    %c0_i32 = arith.constant 0 : i32
    %c0_i32_0 = arith.constant 0 : i32
    %c0_i32_1 = arith.constant 0 : i32
    return %c0_i32, %c0_i32_0 : i32, i32
  }
  func.func @transform_5(%arg0: i32) -> (i32, i32) {
    %c0_i32 = arith.constant 0 : i32
    %c0_i32_0 = arith.constant 0 : i32
    return %arg0, %c0_i32 : i32, i32
  }
}

</mosaic_0001>

<sc_bundles>
// kernel: kernel.11.cloned.1.call-start
scs
__scs_entry_jumppad:
0x0: {  	(pc) =	sbr.rel $0x88, $3  }
0x1: {  	(tag) =	ssettag $0x0;
	lr =	simm.s32 $0x1  }
0x2: {  	[smem:$0x3F9B] =	sst lr;
	_ =	strace $0xD0000000  }
0x3: {  	_ = 	snop  }
0x4: {  	_ = 	snop  }
0x5: {  	_ = 	snop  }
0x6: {  	_ = 	snop  }
0x7: {  	_ = 	snop  }
__scs_overlays_trampoline_lowered:
0x8: {  	[smem:$0x3FAA] =	sst s0  }
0x9: {  	[smem:$0x3FAB] =	sst s1  }
0xa: {  	[smem:$0x3FAC] =	sst s2  }
0xb: {  	[smem:$0x3FAD] =	sst s3  }
0xc: {  	[smem:$0x3FAE] =	sst s4  }
0xd: {  	[smem:$0x3FAF] =	sst s5  }
0xe: {  	[smem:$0x3FB0] =	sst s6  }
0xf: {  	[smem:$0x3FB1] =	sst s7  }
0x10: {  	[smem:$0x3FB2] =	sst s8  }
0x11: {  	[smem:$0x3FB3] =	sst s9;
	s0 =	simm.s32 @!p0 $0x0  }
0x12: {  	s1 =	sld [smem:$0x3F99];
	s0 =	simm.s32 @p0 $0x1  }
0x13: {  	[smem:$0x3FB4] =	sst s0;
	s0 =	simm.s32 @!p1 $0x0  }
0x14: {  	s2 =	sld [smem:$0x3F98];
	s0 =	simm.s32 @p1 $0x1  }
0x15: {  	[smem:$0x3FB5] =	sst s0;
	s0 =	simm.s32 @!p2 $0x0  }
0x16: {  	s3 =	sld [smem:$0x3FDB];
	s0 =	simm.s32 @p2 $0x1  }
0x17: {  	s4 =	simm.s32 $0x1BF5;
	[smem:$0x3FB7] =	sst s0  }
0x18: {  	s0 =	sld [smem:$0x3F9A];
	_ =	swait.ge [sflag:s4], $0x0  }
0x19: {  	s7 =	sld [smem:$0x3F9B]  }
0x1a: {  	s8 =	sadd.s32 $0xFFFFE003, lr  }
0x1b: {  	s9 =	sadd.s32 $0xFFFFFEF7, lr;
	s5 =	simm.s32 $0xFFFFFFFF;
	p2 =	slt.u32 s8, $0xFFFFF086  }
0x1c: {  	p1 =	slt.u32 s9, $0xF7A;
	s5 =	simm.s32 @!p2 $0x0  }
0x1d: {  	s5 =	simm.s32 @p1 $0x1;
	p0 =	seq.s32 s7, s2  }
0x1e: {  	s7 =	smul.u32 @!p0 $0xF7A, s2;
	p2 =	seq.s32 @!p0 s5, $0x0  }
0x1f: {  	s9 =	smul.u32 $0xF7A, s1;
	s8 =	simm.s32 @!p0 $0x1BF5;
	p2 =	por !p2, p0  }
0x20: {  	[sflag:s8] =	ssyncset.s32 @!p0 $0xFFFFF086;
	s6 =	sadd.s32 @!p0 s3, s7;
	s7 =	simm.s32 @!p0 $0x108  }
0x21: {  	s3 =	sadd.s32 s3, s9;
	s6 =	sadd.s32 @!p0 $0x88, s6;
	s7 =	simm.s32 @p2 $0x1082  }
0x22: {  	[simem:s7], [sflag:s8] =	dma.local @!p0 [hbm:s6], $0xF7A  }
0x23: {  	s9 =	sor.u32 $0xD0000000, s2;
	s6 =	simm.s32 $0x108;
	_ =	swait.ge @!p0 [sflag:s8], $0x0  }
0x24: {  	s3 =	sadd.s32 $0x88, s3;
	s6 =	simm.s32 @!p1 $0x1082;
	[sflag:s4] =	ssyncset.s32 $0xFFFFF086  }
0x25: {  	[simem:s6], [sflag:s4] =	dma.local [hbm:s3], $0xF7A  }
0x26: {  	[smem:$0x3F9B] =	sst s1;
	(tag) =	ssettag s2;
	_ =	strace s9  }
0x27: {  	s1 =	sld [smem:$0x3FAB]  }
0x28: {  	s2 =	sld [smem:$0x3FAC]  }
0x29: {  	s4 =	sld [smem:$0x3FAE]  }
0x2a: {  	p0 =	seq.s32 s5, $0x0;
	s5 =	sld [smem:$0x3FAF]  }
0x2b: {  	s6 =	sld [smem:$0x3FB0]  }
0x2c: {  	s7 =	sld [smem:$0x3FB1]  }
0x2d: {  	s3 =	simm.s32 $0x108;
	s8 =	sld [smem:$0x3FB2]  }
0x2e: {  	s3 =	simm.s32 @!p0 $0x1082;
	s9 =	sld [smem:$0x3FB3]  }
0x2f: {  	lr =	sadd.s32 s0, s3;
	s0 =	sld [smem:$0x3FAA]  }
0x30: {  	s3 =	sld [smem:$0x3FAD]  }
0x31: {  	[smem:$0x3FB6] =	sst s10  }
0x32: {  	s10 =	sld [smem:$0x3FB4];
	_ =	sdelay $0x3  }
0x33: {  	p0 =	seq.s32 s10, $0x1;
	s10 =	sld [smem:$0x3FB6];
	_ =	sdelay $0x3  }
0x34: {  	[smem:$0x3FB6] =	sst s10  }
0x35: {  	s10 =	sld [smem:$0x3FB5];
	_ =	sdelay $0x3  }
0x36: {  	p1 =	seq.s32 s10, $0x1;
	s10 =	sld [smem:$0x3FB6];
	_ =	sdelay $0x3  }
0x37: {  	[smem:$0x3FB6] =	sst s10  }
0x38: {  	s10 =	sld [smem:$0x3FB7]  }
0x39: {  	_ = 	snop;
	(pc) =	sbr.ind lr, $3  }
0x3a: {  	_ = 	snop  }
0x3b: {  	_ = 	snop  }
0x3c: {  	p2 =	seq.s32 s10, $0x1;
	s10 =	sld [smem:$0x3FB6]  }
0x3d: {  	_ =	shalt  }
0x3e: {  	_ =	shalt  }
0x3f: {  	_ =	shalt  }
0x40: {  	_ =	shalt  }
0x41: {  	_ =	shalt  }
0x42: {  	_ =	shalt  }
0x43: {  	_ =	shalt  }
0x44: {  	_ =	shalt  }
0x45: {  	_ =	shalt  }
0x46: {  	_ =	shalt  }
0x47: {  	_ =	shalt  }
0x48: {  	_ =	shalt  }
0x49: {  	_ =	shalt  }
0x4a: {  	_ =	shalt  }
0x4b: {  	_ =	shalt  }
0x4c: {  	_ =	shalt  }
0x4d: {  	_ =	shalt  }
0x4e: {  	_ =	shalt  }
0x4f: {  	_ =	shalt  }
0x50: {  	_ =	shalt  }
0x51: {  	_ =	shalt  }
0x52: {  	_ =	shalt  }
0x53: {  	_ =	shalt  }
0x54: {  	_ =	shalt  }
0x55: {  	_ =	shalt  }
0x56: {  	_ =	shalt  }
0x57: {  	_ =	shalt  }
0x58: {  	_ =	shalt  }
0x59: {  	_ =	shalt  }
0x5a: {  	_ =	shalt  }
0x5b: {  	_ =	shalt  }
0x5c: {  	_ =	shalt  }
0x5d: {  	_ =	shalt  }
0x5e: {  	_ =	shalt  }
0x5f: {  	_ =	shalt  }
0x60: {  	_ =	shalt  }
0x61: {  	_ =	shalt  }
0x62: {  	_ =	shalt  }
0x63: {  	_ =	shalt  }
0x64: {  	_ =	shalt  }
0x65: {  	_ =	shalt  }
0x66: {  	_ =	shalt  }
0x67: {  	_ =	shalt  }
0x68: {  	_ =	shalt  }
0x69: {  	_ =	shalt  }
0x6a: {  	_ =	shalt  }
0x6b: {  	_ =	shalt  }
0x6c: {  	_ =	shalt  }
0x6d: {  	_ =	shalt  }
0x6e: {  	_ =	shalt  }
0x6f: {  	_ =	shalt  }
0x70: {  	_ =	shalt  }
0x71: {  	_ =	shalt  }
0x72: {  	_ =	shalt  }
0x73: {  	_ =	shalt  }
0x74: {  	_ =	shalt  }
0x75: {  	_ =	shalt  }
0x76: {  	_ =	shalt  }
0x77: {  	_ =	shalt  }
0x78: {  	_ =	shalt  }
0x79: {  	_ =	shalt  }
0x7a: {  	_ =	shalt  }
0x7b: {  	_ =	shalt  }
0x7c: {  	_ =	shalt  }
0x7d: {  	_ =	shalt  }
0x7e: {  	_ =	shalt  }
0x7f: {  	_ =	shalt  }
0x80: {  	_ =	shalt  }
0x81: {  	_ =	shalt  }
0x82: {  	_ =	shalt  }
0x83: {  	_ =	shalt  }
0x84: {  	_ =	shalt  }
0x85: {  	_ =	shalt  }
0x86: {  	_ =	shalt  }
0x87: {  	_ =	shalt  }
.Lfunc_end0:
.L_simem_size_0:
called_computation.1_lowered:
.L_overlay_start_0:
0x88: {  	s2 =	sld [smem:$0x3FD9]  }
0x89: {  	s3 =	sld [smem:$0x3FFE];
	_ =	sdelay $0x1  }
0x8a: {  	s1 =	srdreg.scid  }
0x8b: {  	s0 =	sand.u32 $0x1, s1  }
0x8c: {  	s17 =	sshll.u32 s0, $0xA;
	s2 =	sadd.s32 s3, s2  }
0x8d: {  	s2 =	sadd.s32 s2, s17  }
0x8e: {  	[smem:$0x3FC2] =	sst s2  }
0x8f: {  	_ = 	snop  }
0x90: {  	s2 =	sld [smem:$0x3FD0];
	(tm) =	ssettm $0x1  }
0x91: {  	s18 =	sld [smem:$0x3FFB];
	_ =	sdelay $0x3  }
0x92: {  	_ =	strace s18  }
0x93: {  	s3 =	sld [smem:$0x3FFC];
	_ =	sdelay $0x3  }
0x94: {  	_ =	strace s3  }
0x95: {  	s3 =	sld [smem:$0x3FFD];
	_ =	sdelay $0x3  }
0x96: {  	_ =	strace s3  }
0x97: {  	_ =	strace $0x8FFFFFFF  }
0x98: {  	s19 =	sld [smem:$0x3FDB];
	_ =	sdelay $0x1  }
0x99: {  	s4 =	simm.s32 $_scs_section_size  }
0x9a: {  	s5 =	simm.s32 $_size__tile_overlayer_lowered;
	s6 =	simm.s32 $_tile_overlayer_lowered  }
0x9b: {  	s22 =	simm.s32 $0x1BFF;
	s21 =	sshll.u32 s6, $0x1;
	s3 =	sadd.s32 s4, s19  }
0x9c: {  	s7 =	simm.s32 $0x0;
	s20 =	sshll.u32 s5, $0x1;
	s5 =	sadd.s32 s21, s3  }
0x9d: {  	[timem:s7], [sflag:s22] =	dma.local [hbm:s5], s20  }
0x9e: {  	_ =	swait.ge [sflag:s22], s20  }
0x9f: {  	s4 =	ssub.s32 $0x0, s20;
	[sflag:s22] =	ssyncset.done $0x0  }
0xa0: {  	[sflag:s22] =	ssyncadd.s32 s4;
	_ =	sdelay $0x1  }
0xa1: {  	s23 =	simm.s32 $0x1B8B  }
0xa2: {  	_ =	swait.ge [sflag:s23], $0x1  }
0xa3: {  	[sflag:s23] =	ssyncset.done $0x0  }
0xa4: {  	s25 =	simm.s32 $0x1B8E;
	s24 =	sld [smem:$0x3FFE];
	[sflag:s23] =	ssyncadd.s32 $0xFFFFFFFF  }
0xa5: {  	s26 =	simm.s32 $execute0_lowered;
	[smem:$0x3FD2] =	sst s25  }
0xa6: {  	s5 =	sshll.u32 s26, $0x1;
	_ =	strace $0x80000049;
	[dreg:$0x1] =	wrdreg $0xFFFFFFFF  }
0xa7: {  	s28 =	simm.s32 $_size_execute0_lowered;
	s3 =	sadd.s32 s3, s5;
	[dreg:$0x0] =	wrdreg $0x0  }
0xa8: {  	s5 =	sshll.u32 s28, $0x1;
	[dreg:$0x2] =	wrdreg s3  }
0xa9: {  	[dreg:$0x3] =	wrdreg s5  }
0xaa: {  	[dreg:$0x4] =	wrdreg $0xC0  }
0xab: {  	_ =	task [dreg:s7], $0x5FFFF  }
0xac: {  	[dreg:$0x1] =	wrdreg $0xFFFFFFFF  }
0xad: {  	[dreg:$0x0] =	wrdreg $0x60  }
0xae: {  	[dreg:$0x2] =	wrdreg s2  }
0xaf: {  	[dreg:$0x3] =	wrdreg s24  }
0xb0: {  	[dreg:$0x4] =	wrdreg $0x41000  }
0xb1: {  	[dreg:$0x5] =	wrdreg $0x9  }
0xb2: {  	_ =	task.clear_ibuf [dreg:s7], $0x6FFFF;
	_ =	strace $0x90000049  }
0xb3: {  	s29 =	simm.s32 $0x9;
	_ =	strace $0x8000004B  }
0xb4: {  	_ =	swait.ge [sflag:s29], $0x1  }
0xb5: {  	[sflag:s29] =	ssyncadd.s32 $0xFFFFFFFF  }
0xb6: {  	_ =	strace $0x9000004B  }
0xb7: {  	_ =	sfence  }
0xb8: {  	s30 =	sld [smem:$0x0];
	_ =	sdelay $0x2  }
0xb9: {  	s31 =	sshll.u32 s1, $0xD;
	s1 =	sshrl.u32 s1, $0x2  }
0xba: {  	s3 =	sand.u32 $0x4000, s31;
	s1 =	sadd.s32 s1, s30  }
0xbb: {  	s0 =	sor.u32 s3, s0;
	s1 =	sshll.u32 s1, $0x11  }
0xbc: {  	s0 =	sor.u32 s1, s0  }
0xbd: {  	s0 =	sadd.s32 $0x8F2B, s0  }
0xbe: {  	[sflag:s0] =	ssyncadd.remote.s32 $0x1  }
0xbf: {  	_ =	sfence.sel $0xFFFF  }
0xc0: {  	[dreg:$0x0] =	wrdreg $0xFFFFFFFF;
	(pc) =	sbr.abs _section_cstart, $3  }
0xc1: {  	[dreg:$0x1] =	wrdreg $0xFFFFFFFF  }
0xc2: {  	_ =	task.clear_ibuf [dreg:s7], $0x2FFFF;
	_ =	strace $0x9FFFFFFF  }
0xc3: {  	(tm) =	ssettm $0x7FFFFFFF  }
tec
execute0_lowered:
.L_overlay_start_1:
0x0: {  	(tag) =	ssettag $0x1  }
0x1: {  	s0 =	rddreg [dreg:$0x0]  }
0x2: {  	s6 =	rddreg [dreg:$0x1]  }
0x3: {  	s1 =	srdreg.scid;
	s2 =	stileid.u32  }
0x4: {  	s3 =	rddreg [dreg:$0x2];
	s4 =	simm.s32 $0x0;
	s8 =	smul.u32 $0x2800, s2  }
0x5: {  	s14 =	simm.s32 $0x100;
	s15 =	simm.s32 $0x1;
	s29 =	smul.u32 $0x50000, s2  }
0x6: {  	s7 =	sand.u32 $0x1, s1;
	s1 =	rddreg [dreg:$0x3];
	s11 =	smul.u32 $0x4F0, s2  }
0x7: {  	s16 =	simm.s32 $0x0;
	[smem:$0x7FF] =	sst s4;
	s5 =	smul.u32 $0x4F00, s7  }
0x8: {  	s31 =	sshll.u32 s2, $0x6;
	s9 =	smul.u32 $0x28000, s7;
	s30 =	ssub.s32 $0x2, s7  }
0x9: {  	_ =	strace $0x8000004A;
	s7 =	sshrl.u32 s30, $0x1;
	s10 =	sadd.s32 s5, s6  }
0xa: {  	s8 =	sadd.s32 s8, s9;
	s5 =	sadd.s32 $0x15800, s6;
	s9 =	sshrl.u32 s29, $0x2  }
0xb: {  	s12 =	ssub.s32 s30, s7;
	s8 =	sadd.s32 s8, s6;
	s13 =	sadd.s32 s9, s3  }
0xc: {  	s6 =	sor.u32 $0x1C02, s31;
	s10 =	sadd.s32 s11, s10;
	s7 =	sadd.s32 $0x18000, s8  }
0xd: {  	s8 =	smax.u32 s12, $0x1;
	s9 =	sadd.s32 $0xBA00, s10;
	s10 =	sadd.s32 $0x1C00, s10  }
0xe: {  	s11 =	sshrl.u32 s13, $0x3;
	s12 =	simm.s32 $0x2;
	s13 =	simm.s32 $0x80  }
.LBB2_1:
0xf: {  	[spmem:s11], [sflag:s6] =	dma.local [hbm:s5], $0x2800  }
0x10: {  	_ =	swait.ge [sflag:s12], $0x2800  }
0x11: {  	[sflag:s12] =	ssyncset.done $0x0  }
0x12: {  	[sflag:s12] =	ssyncadd.s32 $0xFFFFD800  }
0x13: {  	s17 =	sadd.s32 $0x0, s10;
	[bflag:$0x0] =	sbarrier.arrive $0xFFFF  }
0x14: {  	[tilespmem:s4], [sflag:$0x2] =	stream.linear.gather [hbm4b:s17+s4], $0x80, $0x38;
	[tilespmem:$0x18100] =	vst v63  }
0x15: {  	_ =	swait.ge [sflag:s12], $0x80  }
0x16: {  	[sflag:s12] =	ssyncset.done $0x0  }
0x17: {  	[sflag:s12] =	ssyncadd.s32 $0xFFFFFF80  }
0x18: {  	[tilespmem:s14], [sflag:$0x1] =	stream.indirect.gather [hbm4b:s0+s13], $0x80, s4, s13, $0xb8;
	[tilespmem:$0x18100] =	vst v63  }
0x19: {  	_ =	swait.ge [sflag:s15], $0x4000  }
0x1a: {  	[sflag:s15] =	ssyncset.done $0x0  }
0x1b: {  	s31 =	sadd.s32 $0x0, s9;
	[sflag:s15] =	ssyncadd.s32 $0xFFFFC000  }
0x1c: {  	[tilespmem:s13], [sflag:$0x2] =	stream.linear.gather [hbm4b:s31+s4], $0x80, $0x38;
	[tilespmem:$0x18100] =	vst v63  }
0x1d: {  	_ =	swait.ge [sflag:s12], $0x80  }
0x1e: {  	[sflag:s12] =	ssyncset.done $0x0  }
0x1f: {  	[sflag:s12] =	ssyncadd.s32 $0xFFFFFF80  }
0x20: {  	[spmem:s3] =	stream.indirect.scatter.add.f32 [tilespmem:s14], [sflag:$0x2], $0x80, s13, s13, $0xb8;
	[tilespmem:$0x18100] =	vst v63  }
0x21: {  	_ =	swait.ge [sflag:s12], $0x4000  }
0x22: {  	s18 =	simm.s32 $0x20;
	s17 =	simm.s32 $0x10;
	[sflag:s12] =	ssyncset.done $0x0  }
.LBB2_2:
0x23: {  	s19 =	sadd.s32 s17, s10  }
0x24: {  	[sflag:s12] =	ssyncadd.s32 $0xFFFFC000;
	s20 =	smov.u32 s18;
	s21 =	sadd.s32 $0x10, s18  }
0x25: {  	[tilespmem:s4], [sflag:$0x2] =	stream.linear.gather [hbm4b:s19+s4], $0x80, $0x38;
	[tilespmem:$0x18100] =	vst v63  }
0x26: {  	p0 =	sne.s32 s18, $0x4E0;
	_ =	swait.ge [sflag:s12], $0x80  }
0x27: {  	[sflag:s12] =	ssyncset.done $0x0  }
0x28: {  	[sflag:s12] =	ssyncadd.s32 $0xFFFFFF80  }
0x29: {  	[tilespmem:s14], [sflag:$0x1] =	stream.indirect.gather [hbm4b:s0+s13], $0x80, s4, s13, $0xb8;
	[tilespmem:$0x18100] =	vst v63  }
0x2a: {  	_ =	swait.ge [sflag:s15], $0x4000  }
0x2b: {  	[sflag:s15] =	ssyncset.done $0x0  }
0x2c: {  	s18 =	sadd.s32 s17, s9;
	s17 =	smov.u32 s20;
	[sflag:s15] =	ssyncadd.s32 $0xFFFFC000  }
0x2d: {  	[tilespmem:s13], [sflag:$0x2] =	stream.linear.gather [hbm4b:s18+s4], $0x80, $0x38;
	[tilespmem:$0x18100] =	vst v63  }
0x2e: {  	_ =	swait.ge [sflag:s12], $0x80  }
.Ltmp0:
0x2f: {  	[sflag:s12] =	ssyncset.done $0x0;
	(pc) =	sbr.rel @p0 .LBB2_2-.Ltmp0, $4  }
0x30: {  	[sflag:s12] =	ssyncadd.s32 $0xFFFFFF80  }
0x31: {  	[spmem:s3] =	stream.indirect.scatter.add.f32 [tilespmem:s14], [sflag:$0x2], $0x80, s13, s13, $0xb8;
	[tilespmem:$0x18100] =	vst v63  }
0x32: {  	_ =	swait.ge [sflag:s12], $0x4000  }
0x33: {  	s18 =	smov.u32 s21;
	[sflag:s12] =	ssyncset.done $0x0  }
0x34: {  	s18 =	sadd.s32 s17, s10;
	[sflag:s12] =	ssyncadd.s32 $0xFFFFC000  }
0x35: {  	[tilespmem:s4], [sflag:$0x2] =	stream.linear.gather [hbm4b:s18+s4], $0x80, $0x38;
	[tilespmem:$0x18100] =	vst v63  }
0x36: {  	_ =	swait.ge [sflag:s12], $0x80  }
0x37: {  	[sflag:s12] =	ssyncset.done $0x0  }
0x38: {  	[sflag:s12] =	ssyncadd.s32 $0xFFFFFF80  }
0x39: {  	[tilespmem:s14], [sflag:$0x1] =	stream.indirect.gather [hbm4b:s0+s13], $0x80, s4, s13, $0xb8;
	[tilespmem:$0x18100] =	vst v63  }
0x3a: {  	_ =	swait.ge [sflag:s15], $0x4000  }
0x3b: {  	[sflag:s15] =	ssyncset.done $0x0  }
0x3c: {  	s31 =	sadd.s32 s17, s9;
	[sflag:s15] =	ssyncadd.s32 $0xFFFFC000  }
0x3d: {  	[tilespmem:s13], [sflag:$0x2] =	stream.linear.gather [hbm4b:s31+s4], $0x80, $0x38;
	[tilespmem:$0x18100] =	vst v63  }
0x3e: {  	_ =	swait.ge [sflag:s12], $0x80  }
0x3f: {  	[sflag:s12] =	ssyncset.done $0x0  }
0x40: {  	[sflag:s12] =	ssyncadd.s32 $0xFFFFFF80  }
0x41: {  	[spmem:s3] =	stream.indirect.scatter.add.f32 [tilespmem:s14], [sflag:$0x2], $0x80, s13, s13, $0xb8;
	[tilespmem:$0x18100] =	vst v63  }
0x42: {  	_ =	swait.ge [sflag:s12], $0x4000  }
0x43: {  	s16 =	sadd.s32 $0x1, s16;
	[sflag:s12] =	ssyncset.done $0x0  }
0x44: {  	p0 =	sne.s32 s16, s8;
	[sflag:s12] =	ssyncadd.s32 $0xFFFFC000  }
.Ltmp1:
0x45: {  	[bflag:$0x0] =	sbarrier.arrive $0xFFFF;
	(pc) =	sbr.rel @p0 .LBB2_1-.Ltmp1, $4  }
0x46: {  	[hbm:s7], [sflag:s6] =	dma.local [spmem:s11], $0x2800  }
0x47: {  	_ =	swait.ge [sflag:s12], $0x2800  }
0x48: {  	[sflag:s12] =	ssyncset.done $0x0  }
0x49: {  	[sflag:s12] =	ssyncadd.s32 $0xFFFFD800  }
0x4a: {  	_ =	sfence.sel $0x180000  }
0x4b: {  	[bflag:$0x0] =	sbarrier.arrive $0xFFFF  }
0x4c: {  	p0 =	sne.s32 s2, $0x0;
	_ =	strace $0x9000004A  }
0x4d: {  	s0 =	sadd.s32 @!p0 $0x100000, s1;
	[bflag:$0x2] =	sbarrier.arrive $0xFFFF  }
0x4e: {  	[sflag:s0] =	ssyncadd.tile.s32 @!p0 $0x1;
	_ =	shalt  }
.Lfunc_end2:
_tile_overlayer_lowered:
.L_overlay_start_2:
0x4f: {  	(tag) =	ssettag $0x2  }
0x50: {  	s0 =	rddreg [dreg:$0x0];
	s2 =	stileid.u32  }
0x51: {  	s1 =	rddreg [dreg:$0x1];
	p0 =	sne.s32 s2, $0x0  }
0x52: {  	s3 =	rddreg [dreg:$0x2];
	[bflag:$0x3] =	sbarrier.arrive $0xFFFF;
	s2 =	simm.s32 @!p0 $0x1C02  }
0x53: {  	[timem:s3], [sflag:s2] =	dma.local @!p0 [hbm:s0], s1  }
0x54: {  	s0 =	simm.s32 @!p0 $0x2  }
0x55: {  	_ =	swait.ge @!p0 [sflag:s0], s1  }
0x56: {  	s1 =	ssub.s32 @!p0 $0x0, s1;
	[sflag:s0] =	ssyncset.done @!p0 $0x0  }
0x57: {  	[sflag:s0] =	ssyncadd.s32 @!p0 s1  }
0x58: {  	[bflag:$0x3] =	sbarrier.arrive $0xFFFF  }
0x59: {  	_ =	shalt  }

// kernel: kernel.14.cloned.1.call-start
scs
__scs_entry_jumppad:
0x0: {  	(pc) =	sbr.rel $0x88, $3  }
0x1: {  	(tag) =	ssettag $0x0;
	lr =	simm.s32 $0x1  }
0x2: {  	[smem:$0x3F9B] =	sst lr;
	_ =	strace $0xD0000000  }
0x3: {  	_ = 	snop  }
0x4: {  	_ = 	snop  }
0x5: {  	_ = 	snop  }
0x6: {  	_ = 	snop  }
0x7: {  	_ = 	snop  }
__scs_overlays_trampoline_lowered:
0x8: {  	[smem:$0x3FAA] =	sst s0  }
0x9: {  	[smem:$0x3FAB] =	sst s1  }
0xa: {  	[smem:$0x3FAC] =	sst s2  }
0xb: {  	[smem:$0x3FAD] =	sst s3  }
0xc: {  	[smem:$0x3FAE] =	sst s4  }
0xd: {  	[smem:$0x3FAF] =	sst s5  }
0xe: {  	[smem:$0x3FB0] =	sst s6  }
0xf: {  	[smem:$0x3FB1] =	sst s7  }
0x10: {  	[smem:$0x3FB2] =	sst s8  }
0x11: {  	[smem:$0x3FB3] =	sst s9;
	s0 =	simm.s32 @!p0 $0x0  }
0x12: {  	s1 =	sld [smem:$0x3F99];
	s0 =	simm.s32 @p0 $0x1  }
0x13: {  	[smem:$0x3FB4] =	sst s0;
	s0 =	simm.s32 @!p1 $0x0  }
0x14: {  	s2 =	sld [smem:$0x3F98];
	s0 =	simm.s32 @p1 $0x1  }
0x15: {  	[smem:$0x3FB5] =	sst s0;
	s0 =	simm.s32 @!p2 $0x0  }
0x16: {  	s3 =	sld [smem:$0x3FDB];
	s0 =	simm.s32 @p2 $0x1  }
0x17: {  	s4 =	simm.s32 $0x1BF5;
	[smem:$0x3FB7] =	sst s0  }
0x18: {  	s0 =	sld [smem:$0x3F9A];
	_ =	swait.ge [sflag:s4], $0x0  }
0x19: {  	s7 =	sld [smem:$0x3F9B]  }
0x1a: {  	s8 =	sadd.s32 $0xFFFFE003, lr  }
0x1b: {  	s9 =	sadd.s32 $0xFFFFFEF7, lr;
	s5 =	simm.s32 $0xFFFFFFFF;
	p2 =	slt.u32 s8, $0xFFFFF086  }
0x1c: {  	p1 =	slt.u32 s9, $0xF7A;
	s5 =	simm.s32 @!p2 $0x0  }
0x1d: {  	s5 =	simm.s32 @p1 $0x1;
	p0 =	seq.s32 s7, s2  }
0x1e: {  	s7 =	smul.u32 @!p0 $0xF7A, s2;
	p2 =	seq.s32 @!p0 s5, $0x0  }
0x1f: {  	s9 =	smul.u32 $0xF7A, s1;
	s8 =	simm.s32 @!p0 $0x1BF5;
	p2 =	por !p2, p0  }
0x20: {  	[sflag:s8] =	ssyncset.s32 @!p0 $0xFFFFF086;
	s6 =	sadd.s32 @!p0 s3, s7;
	s7 =	simm.s32 @!p0 $0x108  }
0x21: {  	s3 =	sadd.s32 s3, s9;
	s6 =	sadd.s32 @!p0 $0x88, s6;
	s7 =	simm.s32 @p2 $0x1082  }
0x22: {  	[simem:s7], [sflag:s8] =	dma.local @!p0 [hbm:s6], $0xF7A  }
0x23: {  	s9 =	sor.u32 $0xD0000000, s2;
	s6 =	simm.s32 $0x108;
	_ =	swait.ge @!p0 [sflag:s8], $0x0  }
0x24: {  	s3 =	sadd.s32 $0x88, s3;
	s6 =	simm.s32 @!p1 $0x1082;
	[sflag:s4] =	ssyncset.s32 $0xFFFFF086  }
0x25: {  	[simem:s6], [sflag:s4] =	dma.local [hbm:s3], $0xF7A  }
0x26: {  	[smem:$0x3F9B] =	sst s1;
	(tag) =	ssettag s2;
	_ =	strace s9  }
0x27: {  	s1 =	sld [smem:$0x3FAB]  }
0x28: {  	s2 =	sld [smem:$0x3FAC]  }
0x29: {  	s4 =	sld [smem:$0x3FAE]  }
0x2a: {  	p0 =	seq.s32 s5, $0x0;
	s5 =	sld [smem:$0x3FAF]  }
0x2b: {  	s6 =	sld [smem:$0x3FB0]  }
0x2c: {  	s7 =	sld [smem:$0x3FB1]  }
0x2d: {  	s3 =	simm.s32 $0x108;
	s8 =	sld [smem:$0x3FB2]  }
0x2e: {  	s3 =	simm.s32 @!p0 $0x1082;
	s9 =	sld [smem:$0x3FB3]  }
0x2f: {  	lr =	sadd.s32 s0, s3;
	s0 =	sld [smem:$0x3FAA]  }
0x30: {  	s3 =	sld [smem:$0x3FAD]  }
0x31: {  	[smem:$0x3FB6] =	sst s10  }
0x32: {  	s10 =	sld [smem:$0x3FB4];
	_ =	sdelay $0x3  }
0x33: {  	p0 =	seq.s32 s10, $0x1;
	s10 =	sld [smem:$0x3FB6];
	_ =	sdelay $0x3  }
0x34: {  	[smem:$0x3FB6] =	sst s10  }
0x35: {  	s10 =	sld [smem:$0x3FB5];
	_ =	sdelay $0x3  }
0x36: {  	p1 =	seq.s32 s10, $0x1;
	s10 =	sld [smem:$0x3FB6];
	_ =	sdelay $0x3  }
0x37: {  	[smem:$0x3FB6] =	sst s10  }
0x38: {  	s10 =	sld [smem:$0x3FB7]  }
0x39: {  	_ = 	snop;
	(pc) =	sbr.ind lr, $3  }
0x3a: {  	_ = 	snop  }
0x3b: {  	_ = 	snop  }
0x3c: {  	p2 =	seq.s32 s10, $0x1;
	s10 =	sld [smem:$0x3FB6]  }
0x3d: {  	_ =	shalt  }
0x3e: {  	_ =	shalt  }
0x3f: {  	_ =	shalt  }
0x40: {  	_ =	shalt  }
0x41: {  	_ =	shalt  }
0x42: {  	_ =	shalt  }
0x43: {  	_ =	shalt  }
0x44: {  	_ =	shalt  }
0x45: {  	_ =	shalt  }
0x46: {  	_ =	shalt  }
0x47: {  	_ =	shalt  }
0x48: {  	_ =	shalt  }
0x49: {  	_ =	shalt  }
0x4a: {  	_ =	shalt  }
0x4b: {  	_ =	shalt  }
0x4c: {  	_ =	shalt  }
0x4d: {  	_ =	shalt  }
0x4e: {  	_ =	shalt  }
0x4f: {  	_ =	shalt  }
0x50: {  	_ =	shalt  }
0x51: {  	_ =	shalt  }
0x52: {  	_ =	shalt  }
0x53: {  	_ =	shalt  }
0x54: {  	_ =	shalt  }
0x55: {  	_ =	shalt  }
0x56: {  	_ =	shalt  }
0x57: {  	_ =	shalt  }
0x58: {  	_ =	shalt  }
0x59: {  	_ =	shalt  }
0x5a: {  	_ =	shalt  }
0x5b: {  	_ =	shalt  }
0x5c: {  	_ =	shalt  }
0x5d: {  	_ =	shalt  }
0x5e: {  	_ =	shalt  }
0x5f: {  	_ =	shalt  }
0x60: {  	_ =	shalt  }
0x61: {  	_ =	shalt  }
0x62: {  	_ =	shalt  }
0x63: {  	_ =	shalt  }
0x64: {  	_ =	shalt  }
0x65: {  	_ =	shalt  }
0x66: {  	_ =	shalt  }
0x67: {  	_ =	shalt  }
0x68: {  	_ =	shalt  }
0x69: {  	_ =	shalt  }
0x6a: {  	_ =	shalt  }
0x6b: {  	_ =	shalt  }
0x6c: {  	_ =	shalt  }
0x6d: {  	_ =	shalt  }
0x6e: {  	_ =	shalt  }
0x6f: {  	_ =	shalt  }
0x70: {  	_ =	shalt  }
0x71: {  	_ =	shalt  }
0x72: {  	_ =	shalt  }
0x73: {  	_ =	shalt  }
0x74: {  	_ =	shalt  }
0x75: {  	_ =	shalt  }
0x76: {  	_ =	shalt  }
0x77: {  	_ =	shalt  }
0x78: {  	_ =	shalt  }
0x79: {  	_ =	shalt  }
0x7a: {  	_ =	shalt  }
0x7b: {  	_ =	shalt  }
0x7c: {  	_ =	shalt  }
0x7d: {  	_ =	shalt  }
0x7e: {  	_ =	shalt  }
0x7f: {  	_ =	shalt  }
0x80: {  	_ =	shalt  }
0x81: {  	_ =	shalt  }
0x82: {  	_ =	shalt  }
0x83: {  	_ =	shalt  }
0x84: {  	_ =	shalt  }
0x85: {  	_ =	shalt  }
0x86: {  	_ =	shalt  }
0x87: {  	_ =	shalt  }
.Lfunc_end0:
.L_simem_size_0:
called_computation.2_lowered:
.L_overlay_start_0:
0x88: {  	s2 =	sld [smem:$0x3FD9]  }
0x89: {  	s3 =	sld [smem:$0x3FFE];
	_ =	sdelay $0x1  }
0x8a: {  	s1 =	srdreg.scid  }
0x8b: {  	s0 =	sand.u32 $0x1, s1  }
0x8c: {  	s17 =	sshll.u32 s0, $0xA;
	s2 =	sadd.s32 s3, s2  }
0x8d: {  	s2 =	sadd.s32 s2, s17  }
0x8e: {  	[smem:$0x3FC2] =	sst s2  }
0x8f: {  	_ = 	snop  }
0x90: {  	s2 =	sld [smem:$0x3FD0];
	(tm) =	ssettm $0x1  }
0x91: {  	s18 =	sld [smem:$0x3FFB];
	_ =	sdelay $0x3  }
0x92: {  	_ =	strace s18  }
0x93: {  	s3 =	sld [smem:$0x3FFC];
	_ =	sdelay $0x3  }
0x94: {  	_ =	strace s3  }
0x95: {  	s3 =	sld [smem:$0x3FFD];
	_ =	sdelay $0x3  }
0x96: {  	_ =	strace s3  }
0x97: {  	_ =	strace $0x8FFFFFFF  }
0x98: {  	s19 =	sld [smem:$0x3FDB];
	_ =	sdelay $0x1  }
0x99: {  	s4 =	simm.s32 $_scs_section_size  }
0x9a: {  	s5 =	simm.s32 $_size__tile_overlayer_lowered;
	s6 =	simm.s32 $_tile_overlayer_lowered  }
0x9b: {  	s22 =	simm.s32 $0x1BFF;
	s21 =	sshll.u32 s6, $0x1;
	s3 =	sadd.s32 s4, s19  }
0x9c: {  	s7 =	simm.s32 $0x0;
	s20 =	sshll.u32 s5, $0x1;
	s5 =	sadd.s32 s21, s3  }
0x9d: {  	[timem:s7], [sflag:s22] =	dma.local [hbm:s5], s20  }
0x9e: {  	_ =	swait.ge [sflag:s22], s20  }
0x9f: {  	s4 =	ssub.s32 $0x0, s20;
	[sflag:s22] =	ssyncset.done $0x0  }
0xa0: {  	[sflag:s22] =	ssyncadd.s32 s4;
	_ =	sdelay $0x1  }
0xa1: {  	s23 =	simm.s32 $0x1B8B  }
0xa2: {  	_ =	swait.ge [sflag:s23], $0x1  }
0xa3: {  	[sflag:s23] =	ssyncset.done $0x0  }
0xa4: {  	s25 =	simm.s32 $0x1B8E;
	s24 =	sld [smem:$0x3FFE];
	[sflag:s23] =	ssyncadd.s32 $0xFFFFFFFF  }
0xa5: {  	s26 =	simm.s32 $execute0_lowered;
	[smem:$0x3FD2] =	sst s25  }
0xa6: {  	s5 =	sshll.u32 s26, $0x1;
	_ =	strace $0x8000004C;
	[dreg:$0x1] =	wrdreg $0xFFFFFFFF  }
0xa7: {  	s28 =	simm.s32 $_size_execute0_lowered;
	s3 =	sadd.s32 s3, s5;
	[dreg:$0x0] =	wrdreg $0x0  }
0xa8: {  	s5 =	sshll.u32 s28, $0x1;
	[dreg:$0x2] =	wrdreg s3  }
0xa9: {  	[dreg:$0x3] =	wrdreg s5  }
0xaa: {  	[dreg:$0x4] =	wrdreg $0xC0  }
0xab: {  	_ =	task [dreg:s7], $0x5FFFF  }
0xac: {  	[dreg:$0x1] =	wrdreg $0xFFFFFFFF  }
0xad: {  	[dreg:$0x0] =	wrdreg $0x60  }
0xae: {  	[dreg:$0x2] =	wrdreg s2  }
0xaf: {  	[dreg:$0x3] =	wrdreg s24  }
0xb0: {  	[dreg:$0x4] =	wrdreg $0x41000  }
0xb1: {  	[dreg:$0x5] =	wrdreg $0x9  }
0xb2: {  	_ =	task.clear_ibuf [dreg:s7], $0x6FFFF;
	_ =	strace $0x9000004C  }
0xb3: {  	s29 =	simm.s32 $0x9;
	_ =	strace $0x8000004E  }
0xb4: {  	_ =	swait.ge [sflag:s29], $0x1  }
0xb5: {  	[sflag:s29] =	ssyncadd.s32 $0xFFFFFFFF  }
0xb6: {  	_ =	strace $0x9000004E  }
0xb7: {  	_ =	sfence  }
0xb8: {  	s30 =	sld [smem:$0x0];
	_ =	sdelay $0x2  }
0xb9: {  	s31 =	sshll.u32 s1, $0xD;
	s1 =	sshrl.u32 s1, $0x2  }
0xba: {  	s3 =	sand.u32 $0x4000, s31;
	s1 =	sadd.s32 s1, s30  }
0xbb: {  	s0 =	sor.u32 s3, s0;
	s1 =	sshll.u32 s1, $0x11  }
0xbc: {  	s0 =	sor.u32 s1, s0  }
0xbd: {  	s0 =	sadd.s32 $0x8F2B, s0  }
0xbe: {  	[sflag:s0] =	ssyncadd.remote.s32 $0x1  }
0xbf: {  	_ =	sfence.sel $0xFFFF  }
0xc0: {  	[dreg:$0x0] =	wrdreg $0xFFFFFFFF;
	(pc) =	sbr.abs _section_cstart, $3  }
0xc1: {  	[dreg:$0x1] =	wrdreg $0xFFFFFFFF  }
0xc2: {  	_ =	task.clear_ibuf [dreg:s7], $0x2FFFF;
	_ =	strace $0x9FFFFFFF  }
0xc3: {  	(tm) =	ssettm $0x7FFFFFFF  }
tec
execute0_lowered:
.L_overlay_start_1:
0x0: {  	(tag) =	ssettag $0x1  }
0x1: {  	s0 =	rddreg [dreg:$0x0]  }
0x2: {  	s6 =	rddreg [dreg:$0x1]  }
0x3: {  	s1 =	srdreg.scid;
	s2 =	stileid.u32  }
0x4: {  	s3 =	rddreg [dreg:$0x2];
	s4 =	simm.s32 $0x0;
	s8 =	smul.u32 $0x2800, s2  }
0x5: {  	s14 =	simm.s32 $0x100;
	s15 =	simm.s32 $0x1;
	s29 =	smul.u32 $0x50000, s2  }
0x6: {  	s7 =	sand.u32 $0x1, s1;
	s1 =	rddreg [dreg:$0x3];
	s11 =	smul.u32 $0x4F0, s2  }
0x7: {  	s16 =	simm.s32 $0x0;
	[smem:$0x7FF] =	sst s4;
	s5 =	smul.u32 $0x4F00, s7  }
0x8: {  	s31 =	sshll.u32 s2, $0x6;
	s9 =	smul.u32 $0x28000, s7;
	s30 =	ssub.s32 $0x2, s7  }
0x9: {  	_ =	strace $0x8000004D;
	s7 =	sshrl.u32 s30, $0x1;
	s10 =	sadd.s32 s5, s6  }
0xa: {  	s8 =	sadd.s32 s8, s9;
	s5 =	sadd.s32 $0x15800, s6;
	s9 =	sshrl.u32 s29, $0x2  }
0xb: {  	s12 =	ssub.s32 s30, s7;
	s8 =	sadd.s32 s8, s6;
	s13 =	sadd.s32 s9, s3  }
0xc: {  	s6 =	sor.u32 $0x1C02, s31;
	s10 =	sadd.s32 s11, s10;
	s7 =	sadd.s32 $0x18000, s8  }
0xd: {  	s8 =	smax.u32 s12, $0x1;
	s9 =	sadd.s32 $0xBA00, s10;
	s10 =	sadd.s32 $0x1C00, s10  }
0xe: {  	s11 =	sshrl.u32 s13, $0x3;
	s12 =	simm.s32 $0x2;
	s13 =	simm.s32 $0x80  }
.LBB2_1:
0xf: {  	[spmem:s11], [sflag:s6] =	dma.local [hbm:s5], $0x2800  }
0x10: {  	_ =	swait.ge [sflag:s12], $0x2800  }
0x11: {  	[sflag:s12] =	ssyncset.done $0x0  }
0x12: {  	[sflag:s12] =	ssyncadd.s32 $0xFFFFD800  }
0x13: {  	s17 =	sadd.s32 $0x0, s10;
	[bflag:$0x0] =	sbarrier.arrive $0xFFFF  }
0x14: {  	[tilespmem:s4], [sflag:$0x2] =	stream.linear.gather [hbm4b:s17+s4], $0x80, $0x38;
	[tilespmem:$0x18100] =	vst v63  }
0x15: {  	_ =	swait.ge [sflag:s12], $0x80  }
0x16: {  	[sflag:s12] =	ssyncset.done $0x0  }
0x17: {  	[sflag:s12] =	ssyncadd.s32 $0xFFFFFF80  }
0x18: {  	[tilespmem:s14], [sflag:$0x1] =	stream.indirect.gather [hbm4b:s0+s13], $0x80, s4, s13, $0xb8;
	[tilespmem:$0x18100] =	vst v63  }
0x19: {  	_ =	swait.ge [sflag:s15], $0x4000  }
0x1a: {  	[sflag:s15] =	ssyncset.done $0x0  }
0x1b: {  	s31 =	sadd.s32 $0x0, s9;
	[sflag:s15] =	ssyncadd.s32 $0xFFFFC000  }
0x1c: {  	[tilespmem:s13], [sflag:$0x2] =	stream.linear.gather [hbm4b:s31+s4], $0x80, $0x38;
	[tilespmem:$0x18100] =	vst v63  }
0x1d: {  	_ =	swait.ge [sflag:s12], $0x80  }
0x1e: {  	[sflag:s12] =	ssyncset.done $0x0  }
0x1f: {  	[sflag:s12] =	ssyncadd.s32 $0xFFFFFF80  }
0x20: {  	[spmem:s3] =	stream.indirect.scatter.add.f32 [tilespmem:s14], [sflag:$0x2], $0x80, s13, s13, $0xb8;
	[tilespmem:$0x18100] =	vst v63  }
0x21: {  	_ =	swait.ge [sflag:s12], $0x4000  }
0x22: {  	s18 =	simm.s32 $0x20;
	s17 =	simm.s32 $0x10;
	[sflag:s12] =	ssyncset.done $0x0  }
.LBB2_2:
0x23: {  	s19 =	sadd.s32 s17, s10  }
0x24: {  	[sflag:s12] =	ssyncadd.s32 $0xFFFFC000;
	s20 =	smov.u32 s18;
	s21 =	sadd.s32 $0x10, s18  }
0x25: {  	[tilespmem:s4], [sflag:$0x2] =	stream.linear.gather [hbm4b:s19+s4], $0x80, $0x38;
	[tilespmem:$0x18100] =	vst v63  }
0x26: {  	p0 =	sne.s32 s18, $0x4E0;
	_ =	swait.ge [sflag:s12], $0x80  }
0x27: {  	[sflag:s12] =	ssyncset.done $0x0  }
0x28: {  	[sflag:s12] =	ssyncadd.s32 $0xFFFFFF80  }
0x29: {  	[tilespmem:s14], [sflag:$0x1] =	stream.indirect.gather [hbm4b:s0+s13], $0x80, s4, s13, $0xb8;
	[tilespmem:$0x18100] =	vst v63  }
0x2a: {  	_ =	swait.ge [sflag:s15], $0x4000  }
0x2b: {  	[sflag:s15] =	ssyncset.done $0x0  }
0x2c: {  	s18 =	sadd.s32 s17, s9;
	s17 =	smov.u32 s20;
	[sflag:s15] =	ssyncadd.s32 $0xFFFFC000  }
0x2d: {  	[tilespmem:s13], [sflag:$0x2] =	stream.linear.gather [hbm4b:s18+s4], $0x80, $0x38;
	[tilespmem:$0x18100] =	vst v63  }
0x2e: {  	_ =	swait.ge [sflag:s12], $0x80  }
.Ltmp0:
0x2f: {  	[sflag:s12] =	ssyncset.done $0x0;
	(pc) =	sbr.rel @p0 .LBB2_2-.Ltmp0, $4  }
0x30: {  	[sflag:s12] =	ssyncadd.s32 $0xFFFFFF80  }
0x31: {  	[spmem:s3] =	stream.indirect.scatter.add.f32 [tilespmem:s14], [sflag:$0x2], $0x80, s13, s13, $0xb8;
	[tilespmem:$0x18100] =	vst v63  }
0x32: {  	_ =	swait.ge [sflag:s12], $0x4000  }
0x33: {  	s18 =	smov.u32 s21;
	[sflag:s12] =	ssyncset.done $0x0  }
0x34: {  	s18 =	sadd.s32 s17, s10;
	[sflag:s12] =	ssyncadd.s32 $0xFFFFC000  }
0x35: {  	[tilespmem:s4], [sflag:$0x2] =	stream.linear.gather [hbm4b:s18+s4], $0x80, $0x38;
	[tilespmem:$0x18100] =	vst v63  }
0x36: {  	_ =	swait.ge [sflag:s12], $0x80  }
0x37: {  	[sflag:s12] =	ssyncset.done $0x0  }
0x38: {  	[sflag:s12] =	ssyncadd.s32 $0xFFFFFF80  }
0x39: {  	[tilespmem:s14], [sflag:$0x1] =	stream.indirect.gather [hbm4b:s0+s13], $0x80, s4, s13, $0xb8;
	[tilespmem:$0x18100] =	vst v63  }
0x3a: {  	_ =	swait.ge [sflag:s15], $0x4000  }
0x3b: {  	[sflag:s15] =	ssyncset.done $0x0  }
0x3c: {  	s31 =	sadd.s32 s17, s9;
	[sflag:s15] =	ssyncadd.s32 $0xFFFFC000  }
0x3d: {  	[tilespmem:s13], [sflag:$0x2] =	stream.linear.gather [hbm4b:s31+s4], $0x80, $0x38;
	[tilespmem:$0x18100] =	vst v63  }
0x3e: {  	_ =	swait.ge [sflag:s12], $0x80  }
0x3f: {  	[sflag:s12] =	ssyncset.done $0x0  }
0x40: {  	[sflag:s12] =	ssyncadd.s32 $0xFFFFFF80  }
0x41: {  	[spmem:s3] =	stream.indirect.scatter.add.f32 [tilespmem:s14], [sflag:$0x2], $0x80, s13, s13, $0xb8;
	[tilespmem:$0x18100] =	vst v63  }
0x42: {  	_ =	swait.ge [sflag:s12], $0x4000  }
0x43: {  	s16 =	sadd.s32 $0x1, s16;
	[sflag:s12] =	ssyncset.done $0x0  }
0x44: {  	p0 =	sne.s32 s16, s8;
	[sflag:s12] =	ssyncadd.s32 $0xFFFFC000  }
.Ltmp1:
0x45: {  	[bflag:$0x0] =	sbarrier.arrive $0xFFFF;
	(pc) =	sbr.rel @p0 .LBB2_1-.Ltmp1, $4  }
0x46: {  	[hbm:s7], [sflag:s6] =	dma.local [spmem:s11], $0x2800  }
0x47: {  	_ =	swait.ge [sflag:s12], $0x2800  }
0x48: {  	[sflag:s12] =	ssyncset.done $0x0  }
0x49: {  	[sflag:s12] =	ssyncadd.s32 $0xFFFFD800  }
0x4a: {  	_ =	sfence.sel $0x180000  }
0x4b: {  	[bflag:$0x0] =	sbarrier.arrive $0xFFFF  }
0x4c: {  	p0 =	sne.s32 s2, $0x0;
	_ =	strace $0x9000004D  }
0x4d: {  	s0 =	sadd.s32 @!p0 $0x100000, s1;
	[bflag:$0x2] =	sbarrier.arrive $0xFFFF  }
0x4e: {  	[sflag:s0] =	ssyncadd.tile.s32 @!p0 $0x1;
	_ =	shalt  }
.Lfunc_end2:
_tile_overlayer_lowered:
.L_overlay_start_2:
0x4f: {  	(tag) =	ssettag $0x2  }
0x50: {  	s0 =	rddreg [dreg:$0x0];
	s2 =	stileid.u32  }
0x51: {  	s1 =	rddreg [dreg:$0x1];
	p0 =	sne.s32 s2, $0x0  }
0x52: {  	s3 =	rddreg [dreg:$0x2];
	[bflag:$0x3] =	sbarrier.arrive $0xFFFF;
	s2 =	simm.s32 @!p0 $0x1C02  }
0x53: {  	[timem:s3], [sflag:s2] =	dma.local @!p0 [hbm:s0], s1  }
0x54: {  	s0 =	simm.s32 @!p0 $0x2  }
0x55: {  	_ =	swait.ge @!p0 [sflag:s0], s1  }
0x56: {  	s1 =	ssub.s32 @!p0 $0x0, s1;
	[sflag:s0] =	ssyncset.done @!p0 $0x0  }
0x57: {  	[sflag:s0] =	ssyncadd.s32 @!p0 s1  }
0x58: {  	[bflag:$0x3] =	sbarrier.arrive $0xFFFF  }
0x59: {  	_ =	shalt  }

// kernel: kernel.8.cloned.1.call-start
scs
__scs_entry_jumppad:
0x0: {  	(pc) =	sbr.rel $0x88, $3  }
0x1: {  	(tag) =	ssettag $0x0;
	lr =	simm.s32 $0x1  }
0x2: {  	[smem:$0x3F9B] =	sst lr;
	_ =	strace $0xD0000000  }
0x3: {  	_ = 	snop  }
0x4: {  	_ = 	snop  }
0x5: {  	_ = 	snop  }
0x6: {  	_ = 	snop  }
0x7: {  	_ = 	snop  }
__scs_overlays_trampoline_lowered:
0x8: {  	[smem:$0x3FAA] =	sst s0  }
0x9: {  	[smem:$0x3FAB] =	sst s1  }
0xa: {  	[smem:$0x3FAC] =	sst s2  }
0xb: {  	[smem:$0x3FAD] =	sst s3  }
0xc: {  	[smem:$0x3FAE] =	sst s4  }
0xd: {  	[smem:$0x3FAF] =	sst s5  }
0xe: {  	[smem:$0x3FB0] =	sst s6  }
0xf: {  	[smem:$0x3FB1] =	sst s7  }
0x10: {  	[smem:$0x3FB2] =	sst s8  }
0x11: {  	[smem:$0x3FB3] =	sst s9;
	s0 =	simm.s32 @!p0 $0x0  }
0x12: {  	s1 =	sld [smem:$0x3F99];
	s0 =	simm.s32 @p0 $0x1  }
0x13: {  	[smem:$0x3FB4] =	sst s0;
	s0 =	simm.s32 @!p1 $0x0  }
0x14: {  	s2 =	sld [smem:$0x3F98];
	s0 =	simm.s32 @p1 $0x1  }
0x15: {  	[smem:$0x3FB5] =	sst s0;
	s0 =	simm.s32 @!p2 $0x0  }
0x16: {  	s3 =	sld [smem:$0x3FDB];
	s0 =	simm.s32 @p2 $0x1  }
0x17: {  	s4 =	simm.s32 $0x1BF5;
	[smem:$0x3FB7] =	sst s0  }
0x18: {  	s0 =	sld [smem:$0x3F9A];
	_ =	swait.ge [sflag:s4], $0x0  }
0x19: {  	s7 =	sld [smem:$0x3F9B]  }
0x1a: {  	s8 =	sadd.s32 $0xFFFFE003, lr  }
0x1b: {  	s9 =	sadd.s32 $0xFFFFFEF7, lr;
	s5 =	simm.s32 $0xFFFFFFFF;
	p2 =	slt.u32 s8, $0xFFFFF086  }
0x1c: {  	p1 =	slt.u32 s9, $0xF7A;
	s5 =	simm.s32 @!p2 $0x0  }
0x1d: {  	s5 =	simm.s32 @p1 $0x1;
	p0 =	seq.s32 s7, s2  }
0x1e: {  	s7 =	smul.u32 @!p0 $0xF7A, s2;
	p2 =	seq.s32 @!p0 s5, $0x0  }
0x1f: {  	s9 =	smul.u32 $0xF7A, s1;
	s8 =	simm.s32 @!p0 $0x1BF5;
	p2 =	por !p2, p0  }
0x20: {  	[sflag:s8] =	ssyncset.s32 @!p0 $0xFFFFF086;
	s6 =	sadd.s32 @!p0 s3, s7;
	s7 =	simm.s32 @!p0 $0x108  }
0x21: {  	s3 =	sadd.s32 s3, s9;
	s6 =	sadd.s32 @!p0 $0x88, s6;
	s7 =	simm.s32 @p2 $0x1082  }
0x22: {  	[simem:s7], [sflag:s8] =	dma.local @!p0 [hbm:s6], $0xF7A  }
0x23: {  	s9 =	sor.u32 $0xD0000000, s2;
	s6 =	simm.s32 $0x108;
	_ =	swait.ge @!p0 [sflag:s8], $0x0  }
0x24: {  	s3 =	sadd.s32 $0x88, s3;
	s6 =	simm.s32 @!p1 $0x1082;
	[sflag:s4] =	ssyncset.s32 $0xFFFFF086  }
0x25: {  	[simem:s6], [sflag:s4] =	dma.local [hbm:s3], $0xF7A  }
0x26: {  	[smem:$0x3F9B] =	sst s1;
	(tag) =	ssettag s2;
	_ =	strace s9  }
0x27: {  	s1 =	sld [smem:$0x3FAB]  }
0x28: {  	s2 =	sld [smem:$0x3FAC]  }
0x29: {  	s4 =	sld [smem:$0x3FAE]  }
0x2a: {  	p0 =	seq.s32 s5, $0x0;
	s5 =	sld [smem:$0x3FAF]  }
0x2b: {  	s6 =	sld [smem:$0x3FB0]  }
0x2c: {  	s7 =	sld [smem:$0x3FB1]  }
0x2d: {  	s3 =	simm.s32 $0x108;
	s8 =	sld [smem:$0x3FB2]  }
0x2e: {  	s3 =	simm.s32 @!p0 $0x1082;
	s9 =	sld [smem:$0x3FB3]  }
0x2f: {  	lr =	sadd.s32 s0, s3;
	s0 =	sld [smem:$0x3FAA]  }
0x30: {  	s3 =	sld [smem:$0x3FAD]  }
0x31: {  	[smem:$0x3FB6] =	sst s10  }
0x32: {  	s10 =	sld [smem:$0x3FB4];
	_ =	sdelay $0x3  }
0x33: {  	p0 =	seq.s32 s10, $0x1;
	s10 =	sld [smem:$0x3FB6];
	_ =	sdelay $0x3  }
0x34: {  	[smem:$0x3FB6] =	sst s10  }
0x35: {  	s10 =	sld [smem:$0x3FB5];
	_ =	sdelay $0x3  }
0x36: {  	p1 =	seq.s32 s10, $0x1;
	s10 =	sld [smem:$0x3FB6];
	_ =	sdelay $0x3  }
0x37: {  	[smem:$0x3FB6] =	sst s10  }
0x38: {  	s10 =	sld [smem:$0x3FB7]  }
0x39: {  	_ = 	snop;
	(pc) =	sbr.ind lr, $3  }
0x3a: {  	_ = 	snop  }
0x3b: {  	_ = 	snop  }
0x3c: {  	p2 =	seq.s32 s10, $0x1;
	s10 =	sld [smem:$0x3FB6]  }
0x3d: {  	_ =	shalt  }
0x3e: {  	_ =	shalt  }
0x3f: {  	_ =	shalt  }
0x40: {  	_ =	shalt  }
0x41: {  	_ =	shalt  }
0x42: {  	_ =	shalt  }
0x43: {  	_ =	shalt  }
0x44: {  	_ =	shalt  }
0x45: {  	_ =	shalt  }
0x46: {  	_ =	shalt  }
0x47: {  	_ =	shalt  }
0x48: {  	_ =	shalt  }
0x49: {  	_ =	shalt  }
0x4a: {  	_ =	shalt  }
0x4b: {  	_ =	shalt  }
0x4c: {  	_ =	shalt  }
0x4d: {  	_ =	shalt  }
0x4e: {  	_ =	shalt  }
0x4f: {  	_ =	shalt  }
0x50: {  	_ =	shalt  }
0x51: {  	_ =	shalt  }
0x52: {  	_ =	shalt  }
0x53: {  	_ =	shalt  }
0x54: {  	_ =	shalt  }
0x55: {  	_ =	shalt  }
0x56: {  	_ =	shalt  }
0x57: {  	_ =	shalt  }
0x58: {  	_ =	shalt  }
0x59: {  	_ =	shalt  }
0x5a: {  	_ =	shalt  }
0x5b: {  	_ =	shalt  }
0x5c: {  	_ =	shalt  }
0x5d: {  	_ =	shalt  }
0x5e: {  	_ =	shalt  }
0x5f: {  	_ =	shalt  }
0x60: {  	_ =	shalt  }
0x61: {  	_ =	shalt  }
0x62: {  	_ =	shalt  }
0x63: {  	_ =	shalt  }
0x64: {  	_ =	shalt  }
0x65: {  	_ =	shalt  }
0x66: {  	_ =	shalt  }
0x67: {  	_ =	shalt  }
0x68: {  	_ =	shalt  }
0x69: {  	_ =	shalt  }
0x6a: {  	_ =	shalt  }
0x6b: {  	_ =	shalt  }
0x6c: {  	_ =	shalt  }
0x6d: {  	_ =	shalt  }
0x6e: {  	_ =	shalt  }
0x6f: {  	_ =	shalt  }
0x70: {  	_ =	shalt  }
0x71: {  	_ =	shalt  }
0x72: {  	_ =	shalt  }
0x73: {  	_ =	shalt  }
0x74: {  	_ =	shalt  }
0x75: {  	_ =	shalt  }
0x76: {  	_ =	shalt  }
0x77: {  	_ =	shalt  }
0x78: {  	_ =	shalt  }
0x79: {  	_ =	shalt  }
0x7a: {  	_ =	shalt  }
0x7b: {  	_ =	shalt  }
0x7c: {  	_ =	shalt  }
0x7d: {  	_ =	shalt  }
0x7e: {  	_ =	shalt  }
0x7f: {  	_ =	shalt  }
0x80: {  	_ =	shalt  }
0x81: {  	_ =	shalt  }
0x82: {  	_ =	shalt  }
0x83: {  	_ =	shalt  }
0x84: {  	_ =	shalt  }
0x85: {  	_ =	shalt  }
0x86: {  	_ =	shalt  }
0x87: {  	_ =	shalt  }
.Lfunc_end0:
.L_simem_size_0:
called_computation_lowered:
.L_overlay_start_0:
0x88: {  	s2 =	sld [smem:$0x3FD9]  }
0x89: {  	s3 =	sld [smem:$0x3FFE];
	_ =	sdelay $0x1  }
0x8a: {  	s1 =	srdreg.scid  }
0x8b: {  	s0 =	sand.u32 $0x1, s1  }
0x8c: {  	s17 =	sshll.u32 s0, $0xA;
	s2 =	sadd.s32 s3, s2  }
0x8d: {  	s2 =	sadd.s32 s2, s17  }
0x8e: {  	[smem:$0x3FC2] =	sst s2  }
0x8f: {  	_ = 	snop  }
0x90: {  	s2 =	sld [smem:$0x3FD0];
	(tm) =	ssettm $0x1  }
0x91: {  	s18 =	sld [smem:$0x3FFB];
	_ =	sdelay $0x3  }
0x92: {  	_ =	strace s18  }
0x93: {  	s3 =	sld [smem:$0x3FFC];
	_ =	sdelay $0x3  }
0x94: {  	_ =	strace s3  }
0x95: {  	s3 =	sld [smem:$0x3FFD];
	_ =	sdelay $0x3  }
0x96: {  	_ =	strace s3  }
0x97: {  	_ =	strace $0x8FFFFFFF  }
0x98: {  	s19 =	sld [smem:$0x3FDB];
	_ =	sdelay $0x1  }
0x99: {  	s4 =	simm.s32 $_scs_section_size  }
0x9a: {  	s5 =	simm.s32 $_size__tile_overlayer_lowered;
	s6 =	simm.s32 $_tile_overlayer_lowered  }
0x9b: {  	s22 =	simm.s32 $0x1BFF;
	s21 =	sshll.u32 s6, $0x1;
	s3 =	sadd.s32 s4, s19  }
0x9c: {  	s7 =	simm.s32 $0x0;
	s20 =	sshll.u32 s5, $0x1;
	s5 =	sadd.s32 s21, s3  }
0x9d: {  	[timem:s7], [sflag:s22] =	dma.local [hbm:s5], s20  }
0x9e: {  	_ =	swait.ge [sflag:s22], s20  }
0x9f: {  	s4 =	ssub.s32 $0x0, s20;
	[sflag:s22] =	ssyncset.done $0x0  }
0xa0: {  	[sflag:s22] =	ssyncadd.s32 s4;
	_ =	sdelay $0x1  }
0xa1: {  	s23 =	simm.s32 $0x1B8B  }
0xa2: {  	_ =	swait.ge [sflag:s23], $0x1  }
0xa3: {  	[sflag:s23] =	ssyncset.done $0x0  }
0xa4: {  	s25 =	simm.s32 $0x1B8E;
	s24 =	sld [smem:$0x3FFE];
	[sflag:s23] =	ssyncadd.s32 $0xFFFFFFFF  }
0xa5: {  	s26 =	simm.s32 $execute0_lowered;
	[smem:$0x3FD2] =	sst s25  }
0xa6: {  	s5 =	sshll.u32 s26, $0x1;
	_ =	strace $0x80000046;
	[dreg:$0x1] =	wrdreg $0xFFFFFFFF  }
0xa7: {  	s28 =	simm.s32 $_size_execute0_lowered;
	s3 =	sadd.s32 s3, s5;
	[dreg:$0x0] =	wrdreg $0x0  }
0xa8: {  	s5 =	sshll.u32 s28, $0x1;
	[dreg:$0x2] =	wrdreg s3  }
0xa9: {  	[dreg:$0x3] =	wrdreg s5  }
0xaa: {  	[dreg:$0x4] =	wrdreg $0xC0  }
0xab: {  	_ =	task [dreg:s7], $0x5FFFF  }
0xac: {  	[dreg:$0x1] =	wrdreg $0xFFFFFFFF  }
0xad: {  	[dreg:$0x0] =	wrdreg $0x60  }
0xae: {  	[dreg:$0x2] =	wrdreg s2  }
0xaf: {  	[dreg:$0x3] =	wrdreg s24  }
0xb0: {  	[dreg:$0x4] =	wrdreg $0x4000  }
0xb1: {  	[dreg:$0x5] =	wrdreg $0x6800  }
0xb2: {  	[dreg:$0x6] =	wrdreg $0x9  }
0xb3: {  	_ =	task.clear_ibuf [dreg:s7], $0x7FFFF;
	_ =	strace $0x90000046  }
0xb4: {  	s29 =	simm.s32 $0x9;
	_ =	strace $0x80000048  }
0xb5: {  	_ =	swait.ge [sflag:s29], $0x1  }
0xb6: {  	[sflag:s29] =	ssyncadd.s32 $0xFFFFFFFF  }
0xb7: {  	_ =	strace $0x90000048  }
0xb8: {  	_ =	sfence  }
0xb9: {  	s30 =	sld [smem:$0x0];
	_ =	sdelay $0x2  }
0xba: {  	s31 =	sshll.u32 s1, $0xD;
	s1 =	sshrl.u32 s1, $0x2  }
0xbb: {  	s3 =	sand.u32 $0x4000, s31;
	s1 =	sadd.s32 s1, s30  }
0xbc: {  	s0 =	sor.u32 s3, s0;
	s1 =	sshll.u32 s1, $0x11  }
0xbd: {  	s0 =	sor.u32 s1, s0  }
0xbe: {  	s0 =	sadd.s32 $0x8F2B, s0  }
0xbf: {  	[sflag:s0] =	ssyncadd.remote.s32 $0x1  }
0xc0: {  	_ =	sfence.sel $0xFFFF  }
0xc1: {  	[dreg:$0x0] =	wrdreg $0xFFFFFFFF;
	(pc) =	sbr.abs _section_cstart, $3  }
0xc2: {  	[dreg:$0x1] =	wrdreg $0xFFFFFFFF  }
0xc3: {  	_ =	task.clear_ibuf [dreg:s7], $0x2FFFF;
	_ =	strace $0x9FFFFFFF  }
0xc4: {  	(tm) =	ssettm $0x7FFFFFFF  }
0xc5: {  	_ =	shalt  }
tec
execute0_lowered:
.L_overlay_start_1:
0x0: {  	(tag) =	ssettag $0x1  }
0x1: {  	s9 =	rddreg [dreg:$0x0]  }
0x2: {  	s5 =	rddreg [dreg:$0x1]  }
0x3: {  	s2 =	rddreg [dreg:$0x2];
	s1 =	srdreg.scid  }
0x4: {  	s0 =	stileid.u32;
	s3 =	rddreg [dreg:$0x3];
	s4 =	simm.s32 $0x0  }
0x5: {  	s15 =	simm.s32 $0x100;
	s19 =	simm.s32 $0x0;
	s7 =	smul.u32 $0x280, s0  }
0x6: {  	s6 =	sand.u32 $0x1, s1;
	s1 =	rddreg [dreg:$0x4];
	s13 =	smul.u32 $0x4F0, s0  }
0x7: {  	[smem:$0x7FF] =	sst s4;
	s16 =	sshll.u32 s0, $0x6;
	s8 =	smul.u32 $0x5000, s6  }
0x8: {  	s10 =	smul.u32 $0x4F00, s6;
	_ =	strace $0x80000047;
	s6 =	ssub.s32 $0x2, s6  }
0x9: {  	s16 =	sor.u32 $0x1C01, s16;
	s12 =	sshrl.u32 s6, $0x1;
	s8 =	sadd.s32 s7, s8  }
0xa: {  	s11 =	sadd.s32 s10, s5;
	s12 =	ssub.s32 s6, s12;
	s6 =	sadd.s32 s7, s3  }
0xb: {  	s14 =	sadd.s32 s10, s9;
	s8 =	sshrl.u32 s8, $0x3;
	s11 =	sadd.s32 s13, s11  }
0xc: {  	s9 =	smax.u32 s12, $0x1;
	s12 =	simm.s32 $0x180;
	s18 =	sshrl.u32 s6, $0x3  }
0xd: {  	s8 =	sadd.s32 s8, s5;
	s5 =	sadd.s32 s7, s2;
	s10 =	sadd.s32 $0xBA00, s11  }
0xe: {  	s11 =	sadd.s32 s13, s14;
	s13 =	simm.s32 $0x1;
	s14 =	simm.s32 $0x80  }
0xf: {  	v0 =	vimm.f32 $1.000000000e+00;
	v1 =	vimm.f32 $0.0e+00;
	s7 =	sadd.s32 $0x15800, s8;
	s8 =	sadd.s32 $0x15D00, s8;
	s17 =	sshrl.u32 s5, $0x3  }
.LBB2_1:
0x10: {  	[tilespmem:$0x100] =	vst v0  }
0x11: {  	[tilespmem:$0x110] =	vst v0  }
0x12: {  	[tilespmem:$0x120] =	vst v0  }
0x13: {  	[tilespmem:$0x130] =	vst v0  }
0x14: {  	[tilespmem:$0x140] =	vst v0  }
0x15: {  	[tilespmem:$0x150] =	vst v0  }
0x16: {  	[tilespmem:$0x160] =	vst v0  }
0x17: {  	[tilespmem:$0x170] =	vst v0  }
0x18: {  	[tilespmem:$0x180] =	vst v1  }
0x19: {  	[tilespmem:$0x190] =	vst v1  }
0x1a: {  	[tilespmem:$0x1A0] =	vst v1  }
0x1b: {  	[tilespmem:$0x1B0] =	vst v1  }
0x1c: {  	[tilespmem:$0x1C0] =	vst v1  }
0x1d: {  	[tilespmem:$0x1D0] =	vst v1  }
0x1e: {  	[tilespmem:$0x1E0] =	vst v1  }
0x1f: {  	[tilespmem:$0x1F0] =	vst v1  }
0x20: {  	[tilespmem:$0x200] =	vst v1  }
0x21: {  	[tilespmem:$0x210] =	vst v1  }
0x22: {  	[tilespmem:$0x220] =	vst v1  }
0x23: {  	[tilespmem:$0x230] =	vst v1  }
0x24: {  	[tilespmem:$0x240] =	vst v1  }
0x25: {  	[tilespmem:$0x250] =	vst v1  }
0x26: {  	[tilespmem:$0x260] =	vst v1  }
0x27: {  	[tilespmem:$0x270] =	vst v1  }
0x28: {  	[tilespmem:$0x280] =	vst v1  }
0x29: {  	[tilespmem:$0x290] =	vst v1  }
0x2a: {  	[tilespmem:$0x2A0] =	vst v1  }
0x2b: {  	[tilespmem:$0x2B0] =	vst v1  }
0x2c: {  	[tilespmem:$0x2C0] =	vst v1  }
0x2d: {  	[tilespmem:$0x2D0] =	vst v1  }
0x2e: {  	[tilespmem:$0x2E0] =	vst v1  }
0x2f: {  	[tilespmem:$0x2F0] =	vst v1  }
0x30: {  	[tilespmem:$0x300] =	vst v1  }
0x31: {  	[tilespmem:$0x310] =	vst v1  }
0x32: {  	[tilespmem:$0x320] =	vst v1  }
0x33: {  	[tilespmem:$0x330] =	vst v1  }
0x34: {  	[tilespmem:$0x340] =	vst v1  }
0x35: {  	[tilespmem:$0x350] =	vst v1  }
0x36: {  	[tilespmem:$0x360] =	vst v1  }
0x37: {  	[tilespmem:$0x370] =	vst v1  }
0x38: {  	[tilespmem:$0x380] =	vst v1  }
0x39: {  	[tilespmem:$0x390] =	vst v1  }
0x3a: {  	[tilespmem:$0x3A0] =	vst v1  }
0x3b: {  	[tilespmem:$0x3B0] =	vst v1  }
0x3c: {  	[tilespmem:$0x3C0] =	vst v1  }
0x3d: {  	[tilespmem:$0x3D0] =	vst v1  }
0x3e: {  	[tilespmem:$0x3E0] =	vst v1  }
0x3f: {  	[tilespmem:$0x3F0] =	vst v1  }
0x40: {  	[spmem:s5] =	stream.linear.scatter [tilespmem:s12], [sflag:$0x1], $0x280, $0x38;
	[tilespmem:$0x900] =	vst v63  }
0x41: {  	_ =	swait.ge [sflag:s13], $0x280  }
0x42: {  	[sflag:s13] =	ssyncset.done $0x0  }
0x43: {  	[sflag:s13] =	ssyncadd.s32 $0xFFFFFD80  }
0x44: {  	[spmem:s6] =	stream.linear.scatter [tilespmem:s12], [sflag:$0x1], $0x280, $0x38;
	[tilespmem:$0x900] =	vst v63  }
0x45: {  	_ =	swait.ge [sflag:s13], $0x280  }
0x46: {  	[sflag:s13] =	ssyncset.done $0x0  }
0x47: {  	[sflag:s13] =	ssyncadd.s32 $0xFFFFFD80  }
0x48: {  	s20 =	sadd.s32 $0x0, s11;
	[bflag:$0x0] =	sbarrier.arrive $0xFFFF  }
0x49: {  	[tilespmem:s4], [sflag:$0x1] =	stream.linear.gather [hbm4b:s20+s4], $0x80, $0x38;
	[tilespmem:$0x900] =	vst v63  }
0x4a: {  	_ =	swait.ge [sflag:s13], $0x80  }
0x4b: {  	[sflag:s13] =	ssyncset.done $0x0  }
0x4c: {  	s31 =	sadd.s32 $0x0, s10;
	[sflag:s13] =	ssyncadd.s32 $0xFFFFFF80  }
0x4d: {  	[tilespmem:s14], [sflag:$0x1] =	stream.linear.gather [hbm4b:s31+s4], $0x80, $0x38;
	[tilespmem:$0x900] =	vst v63  }
0x4e: {  	_ =	swait.ge [sflag:s13], $0x80  }
0x4f: {  	[sflag:s13] =	ssyncset.done $0x0  }
0x50: {  	[sflag:s13] =	ssyncadd.s32 $0xFFFFFF80  }
0x51: {  	[spmem:s2] =	stream.indirect.scatter.add.f32 [tilespmem:s15], [sflag:$0x1], $0x1, s4, s14, $0xb8;
	[tilespmem:$0x900] =	vst v63  }
0x52: {  	_ =	swait.ge [sflag:s13], $0x80  }
0x53: {  	[sflag:s13] =	ssyncset.done $0x0  }
0x54: {  	[sflag:s13] =	ssyncadd.s32 $0xFFFFFF80  }
0x55: {  	[spmem:s3] =	stream.indirect.scatter.add.f32 [tilespmem:s15], [sflag:$0x1], $0x1, s14, s14, $0xb8;
	[tilespmem:$0x900] =	vst v63  }
0x56: {  	_ =	swait.ge [sflag:s13], $0x80  }
0x57: {  	s21 =	simm.s32 $0x20;
	s20 =	simm.s32 $0x10;
	[sflag:s13] =	ssyncset.done $0x0  }
.LBB2_2:
0x58: {  	s22 =	sadd.s32 s20, s11  }
0x59: {  	[sflag:s13] =	ssyncadd.s32 $0xFFFFFF80;
	s23 =	smov.u32 s21;
	s24 =	sadd.s32 $0x10, s21  }
0x5a: {  	[tilespmem:s4], [sflag:$0x1] =	stream.linear.gather [hbm4b:s22+s4], $0x80, $0x38;
	[tilespmem:$0x900] =	vst v63  }
0x5b: {  	p0 =	sne.s32 s21, $0x4E0;
	_ =	swait.ge [sflag:s13], $0x80  }
0x5c: {  	[sflag:s13] =	ssyncset.done $0x0  }
0x5d: {  	s21 =	sadd.s32 s20, s10;
	s20 =	smov.u32 s23;
	[sflag:s13] =	ssyncadd.s32 $0xFFFFFF80  }
0x5e: {  	[tilespmem:s14], [sflag:$0x1] =	stream.linear.gather [hbm4b:s21+s4], $0x80, $0x38;
	[tilespmem:$0x900] =	vst v63  }
0x5f: {  	_ =	swait.ge [sflag:s13], $0x80  }
0x60: {  	[sflag:s13] =	ssyncset.done $0x0  }
0x61: {  	[sflag:s13] =	ssyncadd.s32 $0xFFFFFF80  }
0x62: {  	[spmem:s2] =	stream.indirect.scatter.add.f32 [tilespmem:s15], [sflag:$0x1], $0x1, s4, s14, $0xb8;
	[tilespmem:$0x900] =	vst v63  }
0x63: {  	_ =	swait.ge [sflag:s13], $0x80  }
.Ltmp0:
0x64: {  	[sflag:s13] =	ssyncset.done $0x0;
	(pc) =	sbr.rel @p0 .LBB2_2-.Ltmp0, $4  }
0x65: {  	[sflag:s13] =	ssyncadd.s32 $0xFFFFFF80  }
0x66: {  	[spmem:s3] =	stream.indirect.scatter.add.f32 [tilespmem:s15], [sflag:$0x1], $0x1, s14, s14, $0xb8;
	[tilespmem:$0x900] =	vst v63  }
0x67: {  	_ =	swait.ge [sflag:s13], $0x80  }
0x68: {  	s21 =	smov.u32 s24;
	[sflag:s13] =	ssyncset.done $0x0  }
0x69: {  	s21 =	sadd.s32 s20, s11;
	[sflag:s13] =	ssyncadd.s32 $0xFFFFFF80  }
0x6a: {  	[tilespmem:s4], [sflag:$0x1] =	stream.linear.gather [hbm4b:s21+s4], $0x80, $0x38;
	[tilespmem:$0x900] =	vst v63  }
0x6b: {  	_ =	swait.ge [sflag:s13], $0x80  }
0x6c: {  	[sflag:s13] =	ssyncset.done $0x0  }
0x6d: {  	s31 =	sadd.s32 s20, s10;
	[sflag:s13] =	ssyncadd.s32 $0xFFFFFF80  }
0x6e: {  	[tilespmem:s14], [sflag:$0x1] =	stream.linear.gather [hbm4b:s31+s4], $0x80, $0x38;
	[tilespmem:$0x900] =	vst v63  }
0x6f: {  	_ =	swait.ge [sflag:s13], $0x80  }
0x70: {  	[sflag:s13] =	ssyncset.done $0x0  }
0x71: {  	[sflag:s13] =	ssyncadd.s32 $0xFFFFFF80  }
0x72: {  	[spmem:s2] =	stream.indirect.scatter.add.f32 [tilespmem:s15], [sflag:$0x1], $0x1, s4, s14, $0xb8;
	[tilespmem:$0x900] =	vst v63  }
0x73: {  	_ =	swait.ge [sflag:s13], $0x80  }
0x74: {  	[sflag:s13] =	ssyncset.done $0x0  }
0x75: {  	[sflag:s13] =	ssyncadd.s32 $0xFFFFFF80  }
0x76: {  	[spmem:s3] =	stream.indirect.scatter.add.f32 [tilespmem:s15], [sflag:$0x1], $0x1, s14, s14, $0xb8;
	[tilespmem:$0x900] =	vst v63  }
0x77: {  	_ =	swait.ge [sflag:s13], $0x80  }
0x78: {  	[sflag:s13] =	ssyncset.done $0x0  }
0x79: {  	[sflag:s13] =	ssyncadd.s32 $0xFFFFFF80  }
0x7a: {  	[bflag:$0x0] =	sbarrier.arrive $0xFFFF  }
0x7b: {  	[hbm:s7], [sflag:s16] =	dma.local [spmem:s17], $0x50  }
0x7c: {  	s19 =	sadd.s32 $0x1, s19;
	_ =	swait.ge [sflag:s13], $0x50  }
0x7d: {  	p0 =	sne.s32 s19, s9;
	[sflag:s13] =	ssyncset.done $0x0  }
.Ltmp1:
0x7e: {  	[sflag:s13] =	ssyncadd.s32 $0xFFFFFFB0;
	(pc) =	sbr.rel @p0 .LBB2_1-.Ltmp1, $4  }
0x7f: {  	[hbm:s8], [sflag:s16] =	dma.local [spmem:s18], $0x50  }
0x80: {  	_ =	swait.ge [sflag:s13], $0x50  }
0x81: {  	[sflag:s13] =	ssyncset.done $0x0  }
0x82: {  	[sflag:s13] =	ssyncadd.s32 $0xFFFFFFB0  }
0x83: {  	_ =	sfence.sel $0x180000  }
0x84: {  	[bflag:$0x0] =	sbarrier.arrive $0xFFFF  }
0x85: {  	p0 =	sne.s32 s0, $0x0;
	_ =	strace $0x90000047  }
0x86: {  	s0 =	sadd.s32 @!p0 $0x100000, s1;
	[bflag:$0x2] =	sbarrier.arrive $0xFFFF  }
0x87: {  	[sflag:s0] =	ssyncadd.tile.s32 @!p0 $0x1;
	_ =	shalt  }
.Lfunc_end2:
_tile_overlayer_lowered:
.L_overlay_start_2:
0x88: {  	(tag) =	ssettag $0x2  }
0x89: {  	s0 =	rddreg [dreg:$0x0];
	s2 =	stileid.u32  }
0x8a: {  	s1 =	rddreg [dreg:$0x1];
	p0 =	sne.s32 s2, $0x0  }
0x8b: {  	s3 =	rddreg [dreg:$0x2];
	[bflag:$0x3] =	sbarrier.arrive $0xFFFF;
	s2 =	simm.s32 @!p0 $0x1C01  }
0x8c: {  	[timem:s3], [sflag:s2] =	dma.local @!p0 [hbm:s0], s1  }
0x8d: {  	s0 =	simm.s32 @!p0 $0x1  }
0x8e: {  	_ =	swait.ge @!p0 [sflag:s0], s1  }
0x8f: {  	s1 =	ssub.s32 @!p0 $0x0, s1;
	[sflag:s0] =	ssyncset.done @!p0 $0x0  }
0x90: {  	[sflag:s0] =	ssyncadd.s32 @!p0 s1  }
0x91: {  	[bflag:$0x3] =	sbarrier.arrive $0xFFFF  }
0x92: {  	_ =	shalt  }

</sc_bundles>
